<compile_context>
chip_gen: v7x
topology: tpu7x:2x2x1
jax: 0.10.2.dev20260603
libtpu: 0.0.44.dev20260713+nightly
codegen_flags: <defaults>
</compile_context>

<pallas_src>
import functools

import jax
import jax.numpy as jnp
from jax import lax
from jax.experimental import pallas as pl
from jax.experimental.pallas import tpu as pltpu
from jax.experimental.pallas import tpu_sc as plsc

NUM_USERS = 100001
NUM_MEDS = 1001
EMBED_DIM = 32
BATCH = 4096
MAX_NORM = 1.0
EPS = 1e-7

_NC = 2
_NS = 16
_NW = _NC * _NS
_LANES = 16
_NCHUNK = BATCH // _LANES
_SEG = 128
_U_FULL, _U_TAIL = NUM_USERS // _SEG, NUM_USERS % _SEG
_M_FULL, _M_TAIL = NUM_MEDS // _SEG, NUM_MEDS % _SEG
_U_PAD = (_U_FULL + 1) * _SEG
_M_PAD = (_M_FULL + 1) * _SEG
_UNROLL = 16


def _sc_gather_t(user_table_t, user_idx, med_table_t, med_idx,
                 u_tail_blk, m_tail_blk):
    mesh = plsc.VectorSubcoreMesh(core_axis_name="c", subcore_axis_name="s")

    @functools.partial(
        pl.kernel,
        out_type=[
            jax.ShapeDtypeStruct((EMBED_DIM, BATCH), jnp.float32),
            jax.ShapeDtypeStruct((EMBED_DIM, BATCH), jnp.float32),
        ],
        mesh=mesh,
        compiler_params=pltpu.CompilerParams(needs_layout_passes=False),
        scratch_types=[
            pltpu.VMEM((_U_PAD,), jnp.float32),
            pltpu.VMEM((_M_PAD,), jnp.float32),
            pltpu.VMEM((BATCH,), jnp.int32),
            pltpu.VMEM((BATCH,), jnp.int32),
            pltpu.VMEM((BATCH,), jnp.float32),
            pltpu.VMEM((BATCH,), jnp.float32),
            pltpu.SemaphoreType.DMA,
        ],
    )
    def gather_kernel(u_tab, u_idx, m_tab, m_idx, u_tail, m_tail,
                      u_out, m_out,
                      urow_v, mrow_v, uidx_v, midx_v, uvals_v, mvals_v, sem):
        w = lax.axis_index("s") * _NC + lax.axis_index("c")

        def seg_start(tab, row_v, c):
            sl = pl.ds(c * _SEG, _SEG)
            pltpu.make_async_copy(tab.at[w, sl], row_v.at[sl], sem).start()

        def seg_wait(tab, row_v):
            sl = pl.ds(0, _SEG)
            pltpu.make_async_copy(tab.at[0, sl], row_v.at[sl], sem).wait()

        def u_fire(b, carry):
            for j in range(_UNROLL):
                seg_start(u_tab, urow_v, b * _UNROLL + j)
            return carry

        lax.fori_loop(0, _U_FULL // _UNROLL, u_fire, 0, unroll=False)
        for j in range(_U_FULL - (_U_FULL // _UNROLL) * _UNROLL):
            seg_start(u_tab, urow_v, (_U_FULL // _UNROLL) * _UNROLL + j)
        utail = pl.ds(_U_FULL * _SEG, _SEG)
        pltpu.make_async_copy(u_tail.at[w], urow_v.at[utail], sem).start()

        for c in range(_M_FULL):
            seg_start(m_tab, mrow_v, c)
        mtail = pl.ds(_M_FULL * _SEG, _SEG)
        pltpu.make_async_copy(m_tail.at[w], mrow_v.at[mtail], sem).start()

        pltpu.sync_copy(u_idx, uidx_v)
        pltpu.sync_copy(m_idx, midx_v)

        def u_drain(b, carry):
            for _j in range(_UNROLL):
                seg_wait(u_tab, urow_v)
            return carry

        lax.fori_loop(0, _U_FULL // _UNROLL, u_drain, 0, unroll=False)
        for _j in range(_U_FULL - (_U_FULL // _UNROLL) * _UNROLL):
            seg_wait(u_tab, urow_v)
        pltpu.make_async_copy(u_tail.at[0], urow_v.at[utail], sem).wait()
        for _c in range(_M_FULL):
            seg_wait(m_tab, mrow_v)
        pltpu.make_async_copy(m_tail.at[0], mrow_v.at[mtail], sem).wait()

        def chunk(c, carry):
            for j in range(4):
                sl = pl.ds((c * 4 + j) * _LANES, _LANES)
                uvals_v[sl] = plsc.load_gather(urow_v, [uidx_v[sl]])
                mvals_v[sl] = plsc.load_gather(mrow_v, [midx_v[sl]])
            return carry

        lax.fori_loop(0, _NCHUNK // 4, chunk, 0, unroll=False)
        pltpu.sync_copy(uvals_v, u_out.at[w])
        pltpu.sync_copy(mvals_v, m_out.at[w])

    return gather_kernel(user_table_t, user_idx, med_table_t, med_idx,
                         u_tail_blk, m_tail_blk)


def _col_renorm(x):
    norm = jnp.sqrt(jnp.sum(x * x, axis=0, keepdims=True))
    scale = jnp.where(norm > MAX_NORM, MAX_NORM / (norm + EPS), 1.0)
    return x * scale


_M_TILE = 512


def _mm_body(ut_ref, mt_ref, o_ref, mnt_ref):
    @pl.when(pl.program_id(0) == 0)
    def _():
        mnt_ref[:] = _col_renorm(mt_ref[:]).astype(jnp.bfloat16)

    ub = _col_renorm(ut_ref[:]).astype(jnp.bfloat16)
    o_ref[:] = lax.dot_general(
        ub, mnt_ref[:], (((0,), (0,)), ((), ())),
        preferred_element_type=jnp.float32)


def _tc_matmul(ut, mt):
    grid = (BATCH // _M_TILE,)
    return pl.pallas_call(
        _mm_body,
        grid=grid,
        in_specs=[
            pl.BlockSpec((EMBED_DIM, _M_TILE), lambda i: (0, i)),
            pl.BlockSpec((EMBED_DIM, BATCH), lambda i: (0, 0)),
        ],
        out_specs=pl.BlockSpec((_M_TILE, BATCH), lambda i: (i, 0)),
        out_shape=jax.ShapeDtypeStruct((BATCH, BATCH), jnp.float32),
        scratch_shapes=[pltpu.VMEM((EMBED_DIM, BATCH), jnp.bfloat16)],
    )(ut, mt)


def kernel(user_list, medicine_list, user_table, med_table):
    u_idx = user_list.astype(jnp.int32)
    m_idx = medicine_list.astype(jnp.int32)
    u_t = user_table.T
    m_t = med_table.T
    u_tail_blk = jnp.pad(u_t[:, _U_FULL * _SEG:], ((0, 0), (0, _SEG - _U_TAIL)))
    m_tail_blk = jnp.pad(m_t[:, _M_FULL * _SEG:], ((0, 0), (0, _SEG - _M_TAIL)))
    ut, mt = _sc_gather_t(u_t, u_idx, m_t, m_idx, u_tail_blk, m_tail_blk)
    return _tc_matmul(ut, mt)

# --- scband reference (transcript-rebuilt; emitter-appended) ---
"""Pipeline reference for scband-model-1554778161727 (READ-ONLY COPY).

The authoritative reference and input builder live on the scoring server;
editing this copy changes nothing except your own understanding.
"""

import jax, jax.numpy as jnp
import numpy as np

NUM_USERS = 100001  # len(unique_user_ids) + 1 (unknown slot)
NUM_MEDS = 1001     # len(unique_medicine_names) + 1 (unknown slot)
EMBED_DIM = 32
BATCH = 4096
MAX_NORM = 1.0


def setup_inputs(seed: int = 0) -> dict:
    key = jax.random.key(seed)
    k1, k2, k3, k4 = jax.random.split(key, 4)
    user_list = jax.random.randint(k1, (BATCH,), 0, NUM_USERS, dtype=jnp.int64 if jax.config.jax_enable_x64 else jnp.int32)
    medicine_list = jax.random.randint(k2, (BATCH,), 0, NUM_MEDS, dtype=jnp.int64 if jax.config.jax_enable_x64 else jnp.int32)
    user_table = jax.random.normal(k3, (NUM_USERS, EMBED_DIM), dtype=jnp.float32)
    med_table = jax.random.normal(k4, (NUM_MEDS, EMBED_DIM), dtype=jnp.float32)
    return {"user_list": user_list, "medicine_list": medicine_list, "user_table": user_table, "med_table": med_table}


def _lookup_max_norm(table, idx, max_norm=MAX_NORM, eps=1e-7):
    # nn.Embedding(max_norm=1): rows with norm > max_norm are renormalized at lookup time
    emb = jnp.take(table, idx, axis=0)
    norm = jnp.linalg.norm(emb, axis=-1, keepdims=True)
    scale = jnp.where(norm > max_norm, max_norm / (norm + eps), 1.0)
    return emb * scale


def reference(user_list, medicine_list, user_table, med_table):
    user_embeddings = _lookup_max_norm(user_table, user_list)
    med_embeddings = _lookup_max_norm(med_table, medicine_list)
    return jnp.matmul(user_embeddings, med_embeddings.T)

if __name__ == "__main__":
    import jax
    _d = setup_inputs()
    print(jax.jit(kernel)(*tuple(_d.values())))

</pallas_src>

<mosaic_0001>
#map = affine_map<(d0, d1) -> (0, 0)>
#map1 = affine_map<(d0, d1) -> (0)>
module attributes {stable_mosaic.version = 14 : i64} {
  func.func @gather_kernel(%arg0: i32, %arg1: i32, %arg2: memref<32x100001xf32, #tpu.memory_space<hbm>>, %arg3: memref<4096xi32, #tpu.memory_space<hbm>>, %arg4: memref<32x1001xf32, #tpu.memory_space<hbm>>, %arg5: memref<4096xi32, #tpu.memory_space<hbm>>, %arg6: memref<32x128xf32, #tpu.memory_space<hbm>>, %arg7: memref<32x128xf32, #tpu.memory_space<hbm>>, %arg8: memref<32x4096xf32, #tpu.memory_space<hbm>>, %arg9: memref<32x4096xf32, #tpu.memory_space<hbm>>, %arg10: memref<100096xf32, #tpu.memory_space<vmem>>, %arg11: memref<1024xf32, #tpu.memory_space<vmem>>, %arg12: memref<4096xi32, #tpu.memory_space<vmem>>, %arg13: memref<4096xi32, #tpu.memory_space<vmem>>, %arg14: memref<4096xf32, #tpu.memory_space<vmem>>, %arg15: memref<4096xf32, #tpu.memory_space<vmem>>, %arg16: memref<!tpu.dma_semaphore, #tpu.memory_space<semaphore_mem>>) attributes {dimension_semantics = [#tpu.dimension_semantics<core_parallel>, #tpu.dimension_semantics<subcore_parallel>], iteration_bounds = array<i64: 2, 16>, scalar_prefetch = 0 : i64, scratch_operands = 7 : i64, tpu.core_type = #tpu.core_type<sc_vector_subcore>, window_params = [{transform_indices = #map}, {transform_indices = #map1}, {transform_indices = #map}, {transform_indices = #map1}, {transform_indices = #map}, {transform_indices = #map}, {transform_indices = #map}, {transform_indices = #map}]} {
    %mul3A = arith.constant 2 : i32
    %mul3A_0 = arith.muli %arg1, %mul3A : i32
    %add3A = arith.addi %mul3A_0, %arg0 : i32
    %scan3A = arith.constant 0 : i32
    %scan3A_1 = arith.constant 0 : i32
    %scan3A_2 = arith.constant 48 : i32
    %scan3A_3 = arith.addi %scan3A_1, %scan3A_2 : i32
    %scan3A_4 = arith.constant 1 : i32
    scf.for %scan3A_478 = %scan3A_1 to %scan3A_3 step %scan3A_4  : i32 {
      %mul3A_479 = arith.constant 16 : i32
      %mul3A_480 = arith.muli %scan3A_478, %mul3A_479 : i32
      %add3A_481 = arith.constant 0 : i32
      %add3A_482 = arith.addi %mul3A_480, %add3A_481 : i32
      %mul3A_483 = arith.constant 128 : i32
      %mul3A_484 = arith.muli %add3A_482, %mul3A_483 : i32
      %dma_start3A_485 = tpu.memref_slice %arg10[%mul3A_484] : memref<100096xf32, #tpu.memory_space<vmem>> -> memref<128xf32, #tpu.memory_space<vmem>>
      %dma_start3A_486 = tpu.memref_slice %arg2[%add3A, %mul3A_484] : memref<32x100001xf32, #tpu.memory_space<hbm>> -> memref<1x128xf32, #tpu.memory_space<hbm>>
      %dma_start3A_487 = tpu.memref_squeeze %dma_start3A_486 : memref<1x128xf32, #tpu.memory_space<hbm>> -> memref<128xf32, #tpu.memory_space<hbm>>
      %dma_start3A_488 = tpu.memref_slice %arg10[%mul3A_484] : memref<100096xf32, #tpu.memory_space<vmem>> -> memref<128xf32, #tpu.memory_space<vmem>>
      %dma_start3A_489 = tpu.memref_slice %arg2[%add3A, %mul3A_484] : memref<32x100001xf32, #tpu.memory_space<hbm>> -> memref<1x128xf32, #tpu.memory_space<hbm>>
      %dma_start3A_490 = tpu.memref_squeeze %dma_start3A_489 : memref<1x128xf32, #tpu.memory_space<hbm>> -> memref<128xf32, #tpu.memory_space<hbm>>
      tpu.enqueue_dma source(%dma_start3A_490 : memref<128xf32, #tpu.memory_space<hbm>>) target(%dma_start3A_488 : memref<128xf32, #tpu.memory_space<vmem>>) target_semaphore(%arg16 : memref<!tpu.dma_semaphore, #tpu.memory_space<semaphore_mem>>)
      %mul3A_491 = arith.constant 16 : i32
      %mul3A_492 = arith.muli %scan3A_478, %mul3A_491 : i32
      %add3A_493 = arith.constant 1 : i32
      %add3A_494 = arith.addi %mul3A_492, %add3A_493 : i32
      %mul3A_495 = arith.constant 128 : i32
      %mul3A_496 = arith.muli %add3A_494, %mul3A_495 : i32
      %dma_start3A_497 = tpu.memref_slice %arg10[%mul3A_496] : memref<100096xf32, #tpu.memory_space<vmem>> -> memref<128xf32, #tpu.memory_space<vmem>>
      %dma_start3A_498 = tpu.memref_slice %arg2[%add3A, %mul3A_496] : memref<32x100001xf32, #tpu.memory_space<hbm>> -> memref<1x128xf32, #tpu.memory_space<hbm>>
      %dma_start3A_499 = tpu.memref_squeeze %dma_start3A_498 : memref<1x128xf32, #tpu.memory_space<hbm>> -> memref<128xf32, #tpu.memory_space<hbm>>
      %dma_start3A_500 = tpu.memref_slice %arg10[%mul3A_496] : memref<100096xf32, #tpu.memory_space<vmem>> -> memref<128xf32, #tpu.memory_space<vmem>>
      %dma_start3A_501 = tpu.memref_slice %arg2[%add3A, %mul3A_496] : memref<32x100001xf32, #tpu.memory_space<hbm>> -> memref<1x128xf32, #tpu.memory_space<hbm>>
      %dma_start3A_502 = tpu.memref_squeeze %dma_start3A_501 : memref<1x128xf32, #tpu.memory_space<hbm>> -> memref<128xf32, #tpu.memory_space<hbm>>
      tpu.enqueue_dma source(%dma_start3A_502 : memref<128xf32, #tpu.memory_space<hbm>>) target(%dma_start3A_500 : memref<128xf32, #tpu.memory_space<vmem>>) target_semaphore(%arg16 : memref<!tpu.dma_semaphore, #tpu.memory_space<semaphore_mem>>)
      %mul3A_503 = arith.constant 16 : i32
      %mul3A_504 = arith.muli %scan3A_478, %mul3A_503 : i32
      %add3A_505 = arith.constant 2 : i32
      %add3A_506 = arith.addi %mul3A_504, %add3A_505 : i32
      %mul3A_507 = arith.constant 128 : i32
      %mul3A_508 = arith.muli %add3A_506, %mul3A_507 : i32
      %dma_start3A_509 = tpu.memref_slice %arg10[%mul3A_508] : memref<100096xf32, #tpu.memory_space<vmem>> -> memref<128xf32, #tpu.memory_space<vmem>>
      %dma_start3A_510 = tpu.memref_slice %arg2[%add3A, %mul3A_508] : memref<32x100001xf32, #tpu.memory_space<hbm>> -> memref<1x128xf32, #tpu.memory_space<hbm>>
      %dma_start3A_511 = tpu.memref_squeeze %dma_start3A_510 : memref<1x128xf32, #tpu.memory_space<hbm>> -> memref<128xf32, #tpu.memory_space<hbm>>
      %dma_start3A_512 = tpu.memref_slice %arg10[%mul3A_508] : memref<100096xf32, #tpu.memory_space<vmem>> -> memref<128xf32, #tpu.memory_space<vmem>>
      %dma_start3A_513 = tpu.memref_slice %arg2[%add3A, %mul3A_508] : memref<32x100001xf32, #tpu.memory_space<hbm>> -> memref<1x128xf32, #tpu.memory_space<hbm>>
      %dma_start3A_514 = tpu.memref_squeeze %dma_start3A_513 : memref<1x128xf32, #tpu.memory_space<hbm>> -> memref<128xf32, #tpu.memory_space<hbm>>
      tpu.enqueue_dma source(%dma_start3A_514 : memref<128xf32, #tpu.memory_space<hbm>>) target(%dma_start3A_512 : memref<128xf32, #tpu.memory_space<vmem>>) target_semaphore(%arg16 : memref<!tpu.dma_semaphore, #tpu.memory_space<semaphore_mem>>)
      %mul3A_515 = arith.constant 16 : i32
      %mul3A_516 = arith.muli %scan3A_478, %mul3A_515 : i32
      %add3A_517 = arith.constant 3 : i32
      %add3A_518 = arith.addi %mul3A_516, %add3A_517 : i32
      %mul3A_519 = arith.constant 128 : i32
      %mul3A_520 = arith.muli %add3A_518, %mul3A_519 : i32
      %dma_start3A_521 = tpu.memref_slice %arg10[%mul3A_520] : memref<100096xf32, #tpu.memory_space<vmem>> -> memref<128xf32, #tpu.memory_space<vmem>>
      %dma_start3A_522 = tpu.memref_slice %arg2[%add3A, %mul3A_520] : memref<32x100001xf32, #tpu.memory_space<hbm>> -> memref<1x128xf32, #tpu.memory_space<hbm>>
      %dma_start3A_523 = tpu.memref_squeeze %dma_start3A_522 : memref<1x128xf32, #tpu.memory_space<hbm>> -> memref<128xf32, #tpu.memory_space<hbm>>
      %dma_start3A_524 = tpu.memref_slice %arg10[%mul3A_520] : memref<100096xf32, #tpu.memory_space<vmem>> -> memref<128xf32, #tpu.memory_space<vmem>>
      %dma_start3A_525 = tpu.memref_slice %arg2[%add3A, %mul3A_520] : memref<32x100001xf32, #tpu.memory_space<hbm>> -> memref<1x128xf32, #tpu.memory_space<hbm>>
      %dma_start3A_526 = tpu.memref_squeeze %dma_start3A_525 : memref<1x128xf32, #tpu.memory_space<hbm>> -> memref<128xf32, #tpu.memory_space<hbm>>
      tpu.enqueue_dma source(%dma_start3A_526 : memref<128xf32, #tpu.memory_space<hbm>>) target(%dma_start3A_524 : memref<128xf32, #tpu.memory_space<vmem>>) target_semaphore(%arg16 : memref<!tpu.dma_semaphore, #tpu.memory_space<semaphore_mem>>)
      %mul3A_527 = arith.constant 16 : i32
      %mul3A_528 = arith.muli %scan3A_478, %mul3A_527 : i32
      %add3A_529 = arith.constant 4 : i32
      %add3A_530 = arith.addi %mul3A_528, %add3A_529 : i32
      %mul3A_531 = arith.constant 128 : i32
      %mul3A_532 = arith.muli %add3A_530, %mul3A_531 : i32
      %dma_start3A_533 = tpu.memref_slice %arg10[%mul3A_532] : memref<100096xf32, #tpu.memory_space<vmem>> -> memref<128xf32, #tpu.memory_space<vmem>>
      %dma_start3A_534 = tpu.memref_slice %arg2[%add3A, %mul3A_532] : memref<32x100001xf32, #tpu.memory_space<hbm>> -> memref<1x128xf32, #tpu.memory_space<hbm>>
      %dma_start3A_535 = tpu.memref_squeeze %dma_start3A_534 : memref<1x128xf32, #tpu.memory_space<hbm>> -> memref<128xf32, #tpu.memory_space<hbm>>
      %dma_start3A_536 = tpu.memref_slice %arg10[%mul3A_532] : memref<100096xf32, #tpu.memory_space<vmem>> -> memref<128xf32, #tpu.memory_space<vmem>>
      %dma_start3A_537 = tpu.memref_slice %arg2[%add3A, %mul3A_532] : memref<32x100001xf32, #tpu.memory_space<hbm>> -> memref<1x128xf32, #tpu.memory_space<hbm>>
      %dma_start3A_538 = tpu.memref_squeeze %dma_start3A_537 : memref<1x128xf32, #tpu.memory_space<hbm>> -> memref<128xf32, #tpu.memory_space<hbm>>
      tpu.enqueue_dma source(%dma_start3A_538 : memref<128xf32, #tpu.memory_space<hbm>>) target(%dma_start3A_536 : memref<128xf32, #tpu.memory_space<vmem>>) target_semaphore(%arg16 : memref<!tpu.dma_semaphore, #tpu.memory_space<semaphore_mem>>)
      %mul3A_539 = arith.constant 16 : i32
      %mul3A_540 = arith.muli %scan3A_478, %mul3A_539 : i32
      %add3A_541 = arith.constant 5 : i32
      %add3A_542 = arith.addi %mul3A_540, %add3A_541 : i32
      %mul3A_543 = arith.constant 128 : i32
      %mul3A_544 = arith.muli %add3A_542, %mul3A_543 : i32
      %dma_start3A_545 = tpu.memref_slice %arg10[%mul3A_544] : memref<100096xf32, #tpu.memory_space<vmem>> -> memref<128xf32, #tpu.memory_space<vmem>>
      %dma_start3A_546 = tpu.memref_slice %arg2[%add3A, %mul3A_544] : memref<32x100001xf32, #tpu.memory_space<hbm>> -> memref<1x128xf32, #tpu.memory_space<hbm>>
      %dma_start3A_547 = tpu.memref_squeeze %dma_start3A_546 : memref<1x128xf32, #tpu.memory_space<hbm>> -> memref<128xf32, #tpu.memory_space<hbm>>
      %dma_start3A_548 = tpu.memref_slice %arg10[%mul3A_544] : memref<100096xf32, #tpu.memory_space<vmem>> -> memref<128xf32, #tpu.memory_space<vmem>>
      %dma_start3A_549 = tpu.memref_slice %arg2[%add3A, %mul3A_544] : memref<32x100001xf32, #tpu.memory_space<hbm>> -> memref<1x128xf32, #tpu.memory_space<hbm>>
      %dma_start3A_550 = tpu.memref_squeeze %dma_start3A_549 : memref<1x128xf32, #tpu.memory_space<hbm>> -> memref<128xf32, #tpu.memory_space<hbm>>
      tpu.enqueue_dma source(%dma_start3A_550 : memref<128xf32, #tpu.memory_space<hbm>>) target(%dma_start3A_548 : memref<128xf32, #tpu.memory_space<vmem>>) target_semaphore(%arg16 : memref<!tpu.dma_semaphore, #tpu.memory_space<semaphore_mem>>)
      %mul3A_551 = arith.constant 16 : i32
      %mul3A_552 = arith.muli %scan3A_478, %mul3A_551 : i32
      %add3A_553 = arith.constant 6 : i32
      %add3A_554 = arith.addi %mul3A_552, %add3A_553 : i32
      %mul3A_555 = arith.constant 128 : i32
      %mul3A_556 = arith.muli %add3A_554, %mul3A_555 : i32
      %dma_start3A_557 = tpu.memref_slice %arg10[%mul3A_556] : memref<100096xf32, #tpu.memory_space<vmem>> -> memref<128xf32, #tpu.memory_space<vmem>>
      %dma_start3A_558 = tpu.memref_slice %arg2[%add3A, %mul3A_556] : memref<32x100001xf32, #tpu.memory_space<hbm>> -> memref<1x128xf32, #tpu.memory_space<hbm>>
      %dma_start3A_559 = tpu.memref_squeeze %dma_start3A_558 : memref<1x128xf32, #tpu.memory_space<hbm>> -> memref<128xf32, #tpu.memory_space<hbm>>
      %dma_start3A_560 = tpu.memref_slice %arg10[%mul3A_556] : memref<100096xf32, #tpu.memory_space<vmem>> -> memref<128xf32, #tpu.memory_space<vmem>>
      %dma_start3A_561 = tpu.memref_slice %arg2[%add3A, %mul3A_556] : memref<32x100001xf32, #tpu.memory_space<hbm>> -> memref<1x128xf32, #tpu.memory_space<hbm>>
      %dma_start3A_562 = tpu.memref_squeeze %dma_start3A_561 : memref<1x128xf32, #tpu.memory_space<hbm>> -> memref<128xf32, #tpu.memory_space<hbm>>
      tpu.enqueue_dma source(%dma_start3A_562 : memref<128xf32, #tpu.memory_space<hbm>>) target(%dma_start3A_560 : memref<128xf32, #tpu.memory_space<vmem>>) target_semaphore(%arg16 : memref<!tpu.dma_semaphore, #tpu.memory_space<semaphore_mem>>)
      %mul3A_563 = arith.constant 16 : i32
      %mul3A_564 = arith.muli %scan3A_478, %mul3A_563 : i32
      %add3A_565 = arith.constant 7 : i32
      %add3A_566 = arith.addi %mul3A_564, %add3A_565 : i32
      %mul3A_567 = arith.constant 128 : i32
      %mul3A_568 = arith.muli %add3A_566, %mul3A_567 : i32
      %dma_start3A_569 = tpu.memref_slice %arg10[%mul3A_568] : memref<100096xf32, #tpu.memory_space<vmem>> -> memref<128xf32, #tpu.memory_space<vmem>>
      %dma_start3A_570 = tpu.memref_slice %arg2[%add3A, %mul3A_568] : memref<32x100001xf32, #tpu.memory_space<hbm>> -> memref<1x128xf32, #tpu.memory_space<hbm>>
      %dma_start3A_571 = tpu.memref_squeeze %dma_start3A_570 : memref<1x128xf32, #tpu.memory_space<hbm>> -> memref<128xf32, #tpu.memory_space<hbm>>
      %dma_start3A_572 = tpu.memref_slice %arg10[%mul3A_568] : memref<100096xf32, #tpu.memory_space<vmem>> -> memref<128xf32, #tpu.memory_space<vmem>>
      %dma_start3A_573 = tpu.memref_slice %arg2[%add3A, %mul3A_568] : memref<32x100001xf32, #tpu.memory_space<hbm>> -> memref<1x128xf32, #tpu.memory_space<hbm>>
      %dma_start3A_574 = tpu.memref_squeeze %dma_start3A_573 : memref<1x128xf32, #tpu.memory_space<hbm>> -> memref<128xf32, #tpu.memory_space<hbm>>
      tpu.enqueue_dma source(%dma_start3A_574 : memref<128xf32, #tpu.memory_space<hbm>>) target(%dma_start3A_572 : memref<128xf32, #tpu.memory_space<vmem>>) target_semaphore(%arg16 : memref<!tpu.dma_semaphore, #tpu.memory_space<semaphore_mem>>)
      %mul3A_575 = arith.constant 16 : i32
      %mul3A_576 = arith.muli %scan3A_478, %mul3A_575 : i32
      %add3A_577 = arith.constant 8 : i32
      %add3A_578 = arith.addi %mul3A_576, %add3A_577 : i32
      %mul3A_579 = arith.constant 128 : i32
      %mul3A_580 = arith.muli %add3A_578, %mul3A_579 : i32
      %dma_start3A_581 = tpu.memref_slice %arg10[%mul3A_580] : memref<100096xf32, #tpu.memory_space<vmem>> -> memref<128xf32, #tpu.memory_space<vmem>>
      %dma_start3A_582 = tpu.memref_slice %arg2[%add3A, %mul3A_580] : memref<32x100001xf32, #tpu.memory_space<hbm>> -> memref<1x128xf32, #tpu.memory_space<hbm>>
      %dma_start3A_583 = tpu.memref_squeeze %dma_start3A_582 : memref<1x128xf32, #tpu.memory_space<hbm>> -> memref<128xf32, #tpu.memory_space<hbm>>
      %dma_start3A_584 = tpu.memref_slice %arg10[%mul3A_580] : memref<100096xf32, #tpu.memory_space<vmem>> -> memref<128xf32, #tpu.memory_space<vmem>>
      %dma_start3A_585 = tpu.memref_slice %arg2[%add3A, %mul3A_580] : memref<32x100001xf32, #tpu.memory_space<hbm>> -> memref<1x128xf32, #tpu.memory_space<hbm>>
      %dma_start3A_586 = tpu.memref_squeeze %dma_start3A_585 : memref<1x128xf32, #tpu.memory_space<hbm>> -> memref<128xf32, #tpu.memory_space<hbm>>
      tpu.enqueue_dma source(%dma_start3A_586 : memref<128xf32, #tpu.memory_space<hbm>>) target(%dma_start3A_584 : memref<128xf32, #tpu.memory_space<vmem>>) target_semaphore(%arg16 : memref<!tpu.dma_semaphore, #tpu.memory_space<semaphore_mem>>)
      %mul3A_587 = arith.constant 16 : i32
      %mul3A_588 = arith.muli %scan3A_478, %mul3A_587 : i32
      %add3A_589 = arith.constant 9 : i32
      %add3A_590 = arith.addi %mul3A_588, %add3A_589 : i32
      %mul3A_591 = arith.constant 128 : i32
      %mul3A_592 = arith.muli %add3A_590, %mul3A_591 : i32
      %dma_start3A_593 = tpu.memref_slice %arg10[%mul3A_592] : memref<100096xf32, #tpu.memory_space<vmem>> -> memref<128xf32, #tpu.memory_space<vmem>>
      %dma_start3A_594 = tpu.memref_slice %arg2[%add3A, %mul3A_592] : memref<32x100001xf32, #tpu.memory_space<hbm>> -> memref<1x128xf32, #tpu.memory_space<hbm>>
      %dma_start3A_595 = tpu.memref_squeeze %dma_start3A_594 : memref<1x128xf32, #tpu.memory_space<hbm>> -> memref<128xf32, #tpu.memory_space<hbm>>
      %dma_start3A_596 = tpu.memref_slice %arg10[%mul3A_592] : memref<100096xf32, #tpu.memory_space<vmem>> -> memref<128xf32, #tpu.memory_space<vmem>>
      %dma_start3A_597 = tpu.memref_slice %arg2[%add3A, %mul3A_592] : memref<32x100001xf32, #tpu.memory_space<hbm>> -> memref<1x128xf32, #tpu.memory_space<hbm>>
      %dma_start3A_598 = tpu.memref_squeeze %dma_start3A_597 : memref<1x128xf32, #tpu.memory_space<hbm>> -> memref<128xf32, #tpu.memory_space<hbm>>
      tpu.enqueue_dma source(%dma_start3A_598 : memref<128xf32, #tpu.memory_space<hbm>>) target(%dma_start3A_596 : memref<128xf32, #tpu.memory_space<vmem>>) target_semaphore(%arg16 : memref<!tpu.dma_semaphore, #tpu.memory_space<semaphore_mem>>)
      %mul3A_599 = arith.constant 16 : i32
      %mul3A_600 = arith.muli %scan3A_478, %mul3A_599 : i32
      %add3A_601 = arith.constant 10 : i32
      %add3A_602 = arith.addi %mul3A_600, %add3A_601 : i32
      %mul3A_603 = arith.constant 128 : i32
      %mul3A_604 = arith.muli %add3A_602, %mul3A_603 : i32
      %dma_start3A_605 = tpu.memref_slice %arg10[%mul3A_604] : memref<100096xf32, #tpu.memory_space<vmem>> -> memref<128xf32, #tpu.memory_space<vmem>>
      %dma_start3A_606 = tpu.memref_slice %arg2[%add3A, %mul3A_604] : memref<32x100001xf32, #tpu.memory_space<hbm>> -> memref<1x128xf32, #tpu.memory_space<hbm>>
      %dma_start3A_607 = tpu.memref_squeeze %dma_start3A_606 : memref<1x128xf32, #tpu.memory_space<hbm>> -> memref<128xf32, #tpu.memory_space<hbm>>
      %dma_start3A_608 = tpu.memref_slice %arg10[%mul3A_604] : memref<100096xf32, #tpu.memory_space<vmem>> -> memref<128xf32, #tpu.memory_space<vmem>>
      %dma_start3A_609 = tpu.memref_slice %arg2[%add3A, %mul3A_604] : memref<32x100001xf32, #tpu.memory_space<hbm>> -> memref<1x128xf32, #tpu.memory_space<hbm>>
      %dma_start3A_610 = tpu.memref_squeeze %dma_start3A_609 : memref<1x128xf32, #tpu.memory_space<hbm>> -> memref<128xf32, #tpu.memory_space<hbm>>
      tpu.enqueue_dma source(%dma_start3A_610 : memref<128xf32, #tpu.memory_space<hbm>>) target(%dma_start3A_608 : memref<128xf32, #tpu.memory_space<vmem>>) target_semaphore(%arg16 : memref<!tpu.dma_semaphore, #tpu.memory_space<semaphore_mem>>)
      %mul3A_611 = arith.constant 16 : i32
      %mul3A_612 = arith.muli %scan3A_478, %mul3A_611 : i32
      %add3A_613 = arith.constant 11 : i32
      %add3A_614 = arith.addi %mul3A_612, %add3A_613 : i32
      %mul3A_615 = arith.constant 128 : i32
      %mul3A_616 = arith.muli %add3A_614, %mul3A_615 : i32
      %dma_start3A_617 = tpu.memref_slice %arg10[%mul3A_616] : memref<100096xf32, #tpu.memory_space<vmem>> -> memref<128xf32, #tpu.memory_space<vmem>>
      %dma_start3A_618 = tpu.memref_slice %arg2[%add3A, %mul3A_616] : memref<32x100001xf32, #tpu.memory_space<hbm>> -> memref<1x128xf32, #tpu.memory_space<hbm>>
      %dma_start3A_619 = tpu.memref_squeeze %dma_start3A_618 : memref<1x128xf32, #tpu.memory_space<hbm>> -> memref<128xf32, #tpu.memory_space<hbm>>
      %dma_start3A_620 = tpu.memref_slice %arg10[%mul3A_616] : memref<100096xf32, #tpu.memory_space<vmem>> -> memref<128xf32, #tpu.memory_space<vmem>>
      %dma_start3A_621 = tpu.memref_slice %arg2[%add3A, %mul3A_616] : memref<32x100001xf32, #tpu.memory_space<hbm>> -> memref<1x128xf32, #tpu.memory_space<hbm>>
      %dma_start3A_622 = tpu.memref_squeeze %dma_start3A_621 : memref<1x128xf32, #tpu.memory_space<hbm>> -> memref<128xf32, #tpu.memory_space<hbm>>
      tpu.enqueue_dma source(%dma_start3A_622 : memref<128xf32, #tpu.memory_space<hbm>>) target(%dma_start3A_620 : memref<128xf32, #tpu.memory_space<vmem>>) target_semaphore(%arg16 : memref<!tpu.dma_semaphore, #tpu.memory_space<semaphore_mem>>)
      %mul3A_623 = arith.constant 16 : i32
      %mul3A_624 = arith.muli %scan3A_478, %mul3A_623 : i32
      %add3A_625 = arith.constant 12 : i32
      %add3A_626 = arith.addi %mul3A_624, %add3A_625 : i32
      %mul3A_627 = arith.constant 128 : i32
      %mul3A_628 = arith.muli %add3A_626, %mul3A_627 : i32
      %dma_start3A_629 = tpu.memref_slice %arg10[%mul3A_628] : memref<100096xf32, #tpu.memory_space<vmem>> -> memref<128xf32, #tpu.memory_space<vmem>>
      %dma_start3A_630 = tpu.memref_slice %arg2[%add3A, %mul3A_628] : memref<32x100001xf32, #tpu.memory_space<hbm>> -> memref<1x128xf32, #tpu.memory_space<hbm>>
      %dma_start3A_631 = tpu.memref_squeeze %dma_start3A_630 : memref<1x128xf32, #tpu.memory_space<hbm>> -> memref<128xf32, #tpu.memory_space<hbm>>
      %dma_start3A_632 = tpu.memref_slice %arg10[%mul3A_628] : memref<100096xf32, #tpu.memory_space<vmem>> -> memref<128xf32, #tpu.memory_space<vmem>>
      %dma_start3A_633 = tpu.memref_slice %arg2[%add3A, %mul3A_628] : memref<32x100001xf32, #tpu.memory_space<hbm>> -> memref<1x128xf32, #tpu.memory_space<hbm>>
      %dma_start3A_634 = tpu.memref_squeeze %dma_start3A_633 : memref<1x128xf32, #tpu.memory_space<hbm>> -> memref<128xf32, #tpu.memory_space<hbm>>
      tpu.enqueue_dma source(%dma_start3A_634 : memref<128xf32, #tpu.memory_space<hbm>>) target(%dma_start3A_632 : memref<128xf32, #tpu.memory_space<vmem>>) target_semaphore(%arg16 : memref<!tpu.dma_semaphore, #tpu.memory_space<semaphore_mem>>)
      %mul3A_635 = arith.constant 16 : i32
      %mul3A_636 = arith.muli %scan3A_478, %mul3A_635 : i32
      %add3A_637 = arith.constant 13 : i32
      %add3A_638 = arith.addi %mul3A_636, %add3A_637 : i32
      %mul3A_639 = arith.constant 128 : i32
      %mul3A_640 = arith.muli %add3A_638, %mul3A_639 : i32
      %dma_start3A_641 = tpu.memref_slice %arg10[%mul3A_640] : memref<100096xf32, #tpu.memory_space<vmem>> -> memref<128xf32, #tpu.memory_space<vmem>>
      %dma_start3A_642 = tpu.memref_slice %arg2[%add3A, %mul3A_640] : memref<32x100001xf32, #tpu.memory_space<hbm>> -> memref<1x128xf32, #tpu.memory_space<hbm>>
      %dma_start3A_643 = tpu.memref_squeeze %dma_start3A_642 : memref<1x128xf32, #tpu.memory_space<hbm>> -> memref<128xf32, #tpu.memory_space<hbm>>
      %dma_start3A_644 = tpu.memref_slice %arg10[%mul3A_640] : memref<100096xf32, #tpu.memory_space<vmem>> -> memref<128xf32, #tpu.memory_space<vmem>>
      %dma_start3A_645 = tpu.memref_slice %arg2[%add3A, %mul3A_640] : memref<32x100001xf32, #tpu.memory_space<hbm>> -> memref<1x128xf32, #tpu.memory_space<hbm>>
      %dma_start3A_646 = tpu.memref_squeeze %dma_start3A_645 : memref<1x128xf32, #tpu.memory_space<hbm>> -> memref<128xf32, #tpu.memory_space<hbm>>
      tpu.enqueue_dma source(%dma_start3A_646 : memref<128xf32, #tpu.memory_space<hbm>>) target(%dma_start3A_644 : memref<128xf32, #tpu.memory_space<vmem>>) target_semaphore(%arg16 : memref<!tpu.dma_semaphore, #tpu.memory_space<semaphore_mem>>)
      %mul3A_647 = arith.constant 16 : i32
      %mul3A_648 = arith.muli %scan3A_478, %mul3A_647 : i32
      %add3A_649 = arith.constant 14 : i32
      %add3A_650 = arith.addi %mul3A_648, %add3A_649 : i32
      %mul3A_651 = arith.constant 128 : i32
      %mul3A_652 = arith.muli %add3A_650, %mul3A_651 : i32
      %dma_start3A_653 = tpu.memref_slice %arg10[%mul3A_652] : memref<100096xf32, #tpu.memory_space<vmem>> -> memref<128xf32, #tpu.memory_space<vmem>>
      %dma_start3A_654 = tpu.memref_slice %arg2[%add3A, %mul3A_652] : memref<32x100001xf32, #tpu.memory_space<hbm>> -> memref<1x128xf32, #tpu.memory_space<hbm>>
      %dma_start3A_655 = tpu.memref_squeeze %dma_start3A_654 : memref<1x128xf32, #tpu.memory_space<hbm>> -> memref<128xf32, #tpu.memory_space<hbm>>
      %dma_start3A_656 = tpu.memref_slice %arg10[%mul3A_652] : memref<100096xf32, #tpu.memory_space<vmem>> -> memref<128xf32, #tpu.memory_space<vmem>>
      %dma_start3A_657 = tpu.memref_slice %arg2[%add3A, %mul3A_652] : memref<32x100001xf32, #tpu.memory_space<hbm>> -> memref<1x128xf32, #tpu.memory_space<hbm>>
      %dma_start3A_658 = tpu.memref_squeeze %dma_start3A_657 : memref<1x128xf32, #tpu.memory_space<hbm>> -> memref<128xf32, #tpu.memory_space<hbm>>
      tpu.enqueue_dma source(%dma_start3A_658 : memref<128xf32, #tpu.memory_space<hbm>>) target(%dma_start3A_656 : memref<128xf32, #tpu.memory_space<vmem>>) target_semaphore(%arg16 : memref<!tpu.dma_semaphore, #tpu.memory_space<semaphore_mem>>)
      %mul3A_659 = arith.constant 16 : i32
      %mul3A_660 = arith.muli %scan3A_478, %mul3A_659 : i32
      %add3A_661 = arith.constant 15 : i32
      %add3A_662 = arith.addi %mul3A_660, %add3A_661 : i32
      %mul3A_663 = arith.constant 128 : i32
      %mul3A_664 = arith.muli %add3A_662, %mul3A_663 : i32
      %dma_start3A_665 = tpu.memref_slice %arg10[%mul3A_664] : memref<100096xf32, #tpu.memory_space<vmem>> -> memref<128xf32, #tpu.memory_space<vmem>>
      %dma_start3A_666 = tpu.memref_slice %arg2[%add3A, %mul3A_664] : memref<32x100001xf32, #tpu.memory_space<hbm>> -> memref<1x128xf32, #tpu.memory_space<hbm>>
      %dma_start3A_667 = tpu.memref_squeeze %dma_start3A_666 : memref<1x128xf32, #tpu.memory_space<hbm>> -> memref<128xf32, #tpu.memory_space<hbm>>
      %dma_start3A_668 = tpu.memref_slice %arg10[%mul3A_664] : memref<100096xf32, #tpu.memory_space<vmem>> -> memref<128xf32, #tpu.memory_space<vmem>>
      %dma_start3A_669 = tpu.memref_slice %arg2[%add3A, %mul3A_664] : memref<32x100001xf32, #tpu.memory_space<hbm>> -> memref<1x128xf32, #tpu.memory_space<hbm>>
      %dma_start3A_670 = tpu.memref_squeeze %dma_start3A_669 : memref<1x128xf32, #tpu.memory_space<hbm>> -> memref<128xf32, #tpu.memory_space<hbm>>
      tpu.enqueue_dma source(%dma_start3A_670 : memref<128xf32, #tpu.memory_space<hbm>>) target(%dma_start3A_668 : memref<128xf32, #tpu.memory_space<vmem>>) target_semaphore(%arg16 : memref<!tpu.dma_semaphore, #tpu.memory_space<semaphore_mem>>)
    }
    %scan3A_5 = arith.constant 48 : i32
    %dma_start3A = arith.constant 98304 : i32
    %dma_start3A_6 = tpu.memref_slice %arg10[%dma_start3A] : memref<100096xf32, #tpu.memory_space<vmem>> -> memref<128xf32, #tpu.memory_space<vmem>>
    %dma_start3A_7 = arith.constant 98304 : i32
    %dma_start3A_8 = tpu.memref_slice %arg2[%add3A, %dma_start3A_7] : memref<32x100001xf32, #tpu.memory_space<hbm>> -> memref<1x128xf32, #tpu.memory_space<hbm>>
    %dma_start3A_9 = tpu.memref_squeeze %dma_start3A_8 : memref<1x128xf32, #tpu.memory_space<hbm>> -> memref<128xf32, #tpu.memory_space<hbm>>
    %dma_start3A_10 = arith.constant 98304 : i32
    %dma_start3A_11 = tpu.memref_slice %arg10[%dma_start3A_10] : memref<100096xf32, #tpu.memory_space<vmem>> -> memref<128xf32, #tpu.memory_space<vmem>>
    %dma_start3A_12 = arith.constant 98304 : i32
    %dma_start3A_13 = tpu.memref_slice %arg2[%add3A, %dma_start3A_12] : memref<32x100001xf32, #tpu.memory_space<hbm>> -> memref<1x128xf32, #tpu.memory_space<hbm>>
    %dma_start3A_14 = tpu.memref_squeeze %dma_start3A_13 : memref<1x128xf32, #tpu.memory_space<hbm>> -> memref<128xf32, #tpu.memory_space<hbm>>
    tpu.enqueue_dma source(%dma_start3A_14 : memref<128xf32, #tpu.memory_space<hbm>>) target(%dma_start3A_11 : memref<128xf32, #tpu.memory_space<vmem>>) target_semaphore(%arg16 : memref<!tpu.dma_semaphore, #tpu.memory_space<semaphore_mem>>)
    %dma_start3A_15 = arith.constant 98432 : i32
    %dma_start3A_16 = tpu.memref_slice %arg10[%dma_start3A_15] : memref<100096xf32, #tpu.memory_space<vmem>> -> memref<128xf32, #tpu.memory_space<vmem>>
    %dma_start3A_17 = arith.constant 98432 : i32
    %dma_start3A_18 = tpu.memref_slice %arg2[%add3A, %dma_start3A_17] : memref<32x100001xf32, #tpu.memory_space<hbm>> -> memref<1x128xf32, #tpu.memory_space<hbm>>
    %dma_start3A_19 = tpu.memref_squeeze %dma_start3A_18 : memref<1x128xf32, #tpu.memory_space<hbm>> -> memref<128xf32, #tpu.memory_space<hbm>>
    %dma_start3A_20 = arith.constant 98432 : i32
    %dma_start3A_21 = tpu.memref_slice %arg10[%dma_start3A_20] : memref<100096xf32, #tpu.memory_space<vmem>> -> memref<128xf32, #tpu.memory_space<vmem>>
    %dma_start3A_22 = arith.constant 98432 : i32
    %dma_start3A_23 = tpu.memref_slice %arg2[%add3A, %dma_start3A_22] : memref<32x100001xf32, #tpu.memory_space<hbm>> -> memref<1x128xf32, #tpu.memory_space<hbm>>
    %dma_start3A_24 = tpu.memref_squeeze %dma_start3A_23 : memref<1x128xf32, #tpu.memory_space<hbm>> -> memref<128xf32, #tpu.memory_space<hbm>>
    tpu.enqueue_dma source(%dma_start3A_24 : memref<128xf32, #tpu.memory_space<hbm>>) target(%dma_start3A_21 : memref<128xf32, #tpu.memory_space<vmem>>) target_semaphore(%arg16 : memref<!tpu.dma_semaphore, #tpu.memory_space<semaphore_mem>>)
    %dma_start3A_25 = arith.constant 98560 : i32
    %dma_start3A_26 = tpu.memref_slice %arg10[%dma_start3A_25] : memref<100096xf32, #tpu.memory_space<vmem>> -> memref<128xf32, #tpu.memory_space<vmem>>
    %dma_start3A_27 = arith.constant 98560 : i32
    %dma_start3A_28 = tpu.memref_slice %arg2[%add3A, %dma_start3A_27] : memref<32x100001xf32, #tpu.memory_space<hbm>> -> memref<1x128xf32, #tpu.memory_space<hbm>>
    %dma_start3A_29 = tpu.memref_squeeze %dma_start3A_28 : memref<1x128xf32, #tpu.memory_space<hbm>> -> memref<128xf32, #tpu.memory_space<hbm>>
    %dma_start3A_30 = arith.constant 98560 : i32
    %dma_start3A_31 = tpu.memref_slice %arg10[%dma_start3A_30] : memref<100096xf32, #tpu.memory_space<vmem>> -> memref<128xf32, #tpu.memory_space<vmem>>
    %dma_start3A_32 = arith.constant 98560 : i32
    %dma_start3A_33 = tpu.memref_slice %arg2[%add3A, %dma_start3A_32] : memref<32x100001xf32, #tpu.memory_space<hbm>> -> memref<1x128xf32, #tpu.memory_space<hbm>>
    %dma_start3A_34 = tpu.memref_squeeze %dma_start3A_33 : memref<1x128xf32, #tpu.memory_space<hbm>> -> memref<128xf32, #tpu.memory_space<hbm>>
    tpu.enqueue_dma source(%dma_start3A_34 : memref<128xf32, #tpu.memory_space<hbm>>) target(%dma_start3A_31 : memref<128xf32, #tpu.memory_space<vmem>>) target_semaphore(%arg16 : memref<!tpu.dma_semaphore, #tpu.memory_space<semaphore_mem>>)
    %dma_start3A_35 = arith.constant 98688 : i32
    %dma_start3A_36 = tpu.memref_slice %arg10[%dma_start3A_35] : memref<100096xf32, #tpu.memory_space<vmem>> -> memref<128xf32, #tpu.memory_space<vmem>>
    %dma_start3A_37 = arith.constant 98688 : i32
    %dma_start3A_38 = tpu.memref_slice %arg2[%add3A, %dma_start3A_37] : memref<32x100001xf32, #tpu.memory_space<hbm>> -> memref<1x128xf32, #tpu.memory_space<hbm>>
    %dma_start3A_39 = tpu.memref_squeeze %dma_start3A_38 : memref<1x128xf32, #tpu.memory_space<hbm>> -> memref<128xf32, #tpu.memory_space<hbm>>
    %dma_start3A_40 = arith.constant 98688 : i32
    %dma_start3A_41 = tpu.memref_slice %arg10[%dma_start3A_40] : memref<100096xf32, #tpu.memory_space<vmem>> -> memref<128xf32, #tpu.memory_space<vmem>>
    %dma_start3A_42 = arith.constant 98688 : i32
    %dma_start3A_43 = tpu.memref_slice %arg2[%add3A, %dma_start3A_42] : memref<32x100001xf32, #tpu.memory_space<hbm>> -> memref<1x128xf32, #tpu.memory_space<hbm>>
    %dma_start3A_44 = tpu.memref_squeeze %dma_start3A_43 : memref<1x128xf32, #tpu.memory_space<hbm>> -> memref<128xf32, #tpu.memory_space<hbm>>
    tpu.enqueue_dma source(%dma_start3A_44 : memref<128xf32, #tpu.memory_space<hbm>>) target(%dma_start3A_41 : memref<128xf32, #tpu.memory_space<vmem>>) target_semaphore(%arg16 : memref<!tpu.dma_semaphore, #tpu.memory_space<semaphore_mem>>)
    %dma_start3A_45 = arith.constant 98816 : i32
    %dma_start3A_46 = tpu.memref_slice %arg10[%dma_start3A_45] : memref<100096xf32, #tpu.memory_space<vmem>> -> memref<128xf32, #tpu.memory_space<vmem>>
    %dma_start3A_47 = arith.constant 98816 : i32
    %dma_start3A_48 = tpu.memref_slice %arg2[%add3A, %dma_start3A_47] : memref<32x100001xf32, #tpu.memory_space<hbm>> -> memref<1x128xf32, #tpu.memory_space<hbm>>
    %dma_start3A_49 = tpu.memref_squeeze %dma_start3A_48 : memref<1x128xf32, #tpu.memory_space<hbm>> -> memref<128xf32, #tpu.memory_space<hbm>>
    %dma_start3A_50 = arith.constant 98816 : i32
    %dma_start3A_51 = tpu.memref_slice %arg10[%dma_start3A_50] : memref<100096xf32, #tpu.memory_space<vmem>> -> memref<128xf32, #tpu.memory_space<vmem>>
    %dma_start3A_52 = arith.constant 98816 : i32
    %dma_start3A_53 = tpu.memref_slice %arg2[%add3A, %dma_start3A_52] : memref<32x100001xf32, #tpu.memory_space<hbm>> -> memref<1x128xf32, #tpu.memory_space<hbm>>
    %dma_start3A_54 = tpu.memref_squeeze %dma_start3A_53 : memref<1x128xf32, #tpu.memory_space<hbm>> -> memref<128xf32, #tpu.memory_space<hbm>>
    tpu.enqueue_dma source(%dma_start3A_54 : memref<128xf32, #tpu.memory_space<hbm>>) target(%dma_start3A_51 : memref<128xf32, #tpu.memory_space<vmem>>) target_semaphore(%arg16 : memref<!tpu.dma_semaphore, #tpu.memory_space<semaphore_mem>>)
    %dma_start3A_55 = arith.constant 98944 : i32
    %dma_start3A_56 = tpu.memref_slice %arg10[%dma_start3A_55] : memref<100096xf32, #tpu.memory_space<vmem>> -> memref<128xf32, #tpu.memory_space<vmem>>
    %dma_start3A_57 = arith.constant 98944 : i32
    %dma_start3A_58 = tpu.memref_slice %arg2[%add3A, %dma_start3A_57] : memref<32x100001xf32, #tpu.memory_space<hbm>> -> memref<1x128xf32, #tpu.memory_space<hbm>>
    %dma_start3A_59 = tpu.memref_squeeze %dma_start3A_58 : memref<1x128xf32, #tpu.memory_space<hbm>> -> memref<128xf32, #tpu.memory_space<hbm>>
    %dma_start3A_60 = arith.constant 98944 : i32
    %dma_start3A_61 = tpu.memref_slice %arg10[%dma_start3A_60] : memref<100096xf32, #tpu.memory_space<vmem>> -> memref<128xf32, #tpu.memory_space<vmem>>
    %dma_start3A_62 = arith.constant 98944 : i32
    %dma_start3A_63 = tpu.memref_slice %arg2[%add3A, %dma_start3A_62] : memref<32x100001xf32, #tpu.memory_space<hbm>> -> memref<1x128xf32, #tpu.memory_space<hbm>>
    %dma_start3A_64 = tpu.memref_squeeze %dma_start3A_63 : memref<1x128xf32, #tpu.memory_space<hbm>> -> memref<128xf32, #tpu.memory_space<hbm>>
    tpu.enqueue_dma source(%dma_start3A_64 : memref<128xf32, #tpu.memory_space<hbm>>) target(%dma_start3A_61 : memref<128xf32, #tpu.memory_space<vmem>>) target_semaphore(%arg16 : memref<!tpu.dma_semaphore, #tpu.memory_space<semaphore_mem>>)
    %dma_start3A_65 = arith.constant 99072 : i32
    %dma_start3A_66 = tpu.memref_slice %arg10[%dma_start3A_65] : memref<100096xf32, #tpu.memory_space<vmem>> -> memref<128xf32, #tpu.memory_space<vmem>>
    %dma_start3A_67 = arith.constant 99072 : i32
    %dma_start3A_68 = tpu.memref_slice %arg2[%add3A, %dma_start3A_67] : memref<32x100001xf32, #tpu.memory_space<hbm>> -> memref<1x128xf32, #tpu.memory_space<hbm>>
    %dma_start3A_69 = tpu.memref_squeeze %dma_start3A_68 : memref<1x128xf32, #tpu.memory_space<hbm>> -> memref<128xf32, #tpu.memory_space<hbm>>
    %dma_start3A_70 = arith.constant 99072 : i32
    %dma_start3A_71 = tpu.memref_slice %arg10[%dma_start3A_70] : memref<100096xf32, #tpu.memory_space<vmem>> -> memref<128xf32, #tpu.memory_space<vmem>>
    %dma_start3A_72 = arith.constant 99072 : i32
    %dma_start3A_73 = tpu.memref_slice %arg2[%add3A, %dma_start3A_72] : memref<32x100001xf32, #tpu.memory_space<hbm>> -> memref<1x128xf32, #tpu.memory_space<hbm>>
    %dma_start3A_74 = tpu.memref_squeeze %dma_start3A_73 : memref<1x128xf32, #tpu.memory_space<hbm>> -> memref<128xf32, #tpu.memory_space<hbm>>
    tpu.enqueue_dma source(%dma_start3A_74 : memref<128xf32, #tpu.memory_space<hbm>>) target(%dma_start3A_71 : memref<128xf32, #tpu.memory_space<vmem>>) target_semaphore(%arg16 : memref<!tpu.dma_semaphore, #tpu.memory_space<semaphore_mem>>)
    %dma_start3A_75 = arith.constant 99200 : i32
    %dma_start3A_76 = tpu.memref_slice %arg10[%dma_start3A_75] : memref<100096xf32, #tpu.memory_space<vmem>> -> memref<128xf32, #tpu.memory_space<vmem>>
    %dma_start3A_77 = arith.constant 99200 : i32
    %dma_start3A_78 = tpu.memref_slice %arg2[%add3A, %dma_start3A_77] : memref<32x100001xf32, #tpu.memory_space<hbm>> -> memref<1x128xf32, #tpu.memory_space<hbm>>
    %dma_start3A_79 = tpu.memref_squeeze %dma_start3A_78 : memref<1x128xf32, #tpu.memory_space<hbm>> -> memref<128xf32, #tpu.memory_space<hbm>>
    %dma_start3A_80 = arith.constant 99200 : i32
    %dma_start3A_81 = tpu.memref_slice %arg10[%dma_start3A_80] : memref<100096xf32, #tpu.memory_space<vmem>> -> memref<128xf32, #tpu.memory_space<vmem>>
    %dma_start3A_82 = arith.constant 99200 : i32
    %dma_start3A_83 = tpu.memref_slice %arg2[%add3A, %dma_start3A_82] : memref<32x100001xf32, #tpu.memory_space<hbm>> -> memref<1x128xf32, #tpu.memory_space<hbm>>
    %dma_start3A_84 = tpu.memref_squeeze %dma_start3A_83 : memref<1x128xf32, #tpu.memory_space<hbm>> -> memref<128xf32, #tpu.memory_space<hbm>>
    tpu.enqueue_dma source(%dma_start3A_84 : memref<128xf32, #tpu.memory_space<hbm>>) target(%dma_start3A_81 : memref<128xf32, #tpu.memory_space<vmem>>) target_semaphore(%arg16 : memref<!tpu.dma_semaphore, #tpu.memory_space<semaphore_mem>>)
    %dma_start3A_85 = arith.constant 99328 : i32
    %dma_start3A_86 = tpu.memref_slice %arg10[%dma_start3A_85] : memref<100096xf32, #tpu.memory_space<vmem>> -> memref<128xf32, #tpu.memory_space<vmem>>
    %dma_start3A_87 = arith.constant 99328 : i32
    %dma_start3A_88 = tpu.memref_slice %arg2[%add3A, %dma_start3A_87] : memref<32x100001xf32, #tpu.memory_space<hbm>> -> memref<1x128xf32, #tpu.memory_space<hbm>>
    %dma_start3A_89 = tpu.memref_squeeze %dma_start3A_88 : memref<1x128xf32, #tpu.memory_space<hbm>> -> memref<128xf32, #tpu.memory_space<hbm>>
    %dma_start3A_90 = arith.constant 99328 : i32
    %dma_start3A_91 = tpu.memref_slice %arg10[%dma_start3A_90] : memref<100096xf32, #tpu.memory_space<vmem>> -> memref<128xf32, #tpu.memory_space<vmem>>
    %dma_start3A_92 = arith.constant 99328 : i32
    %dma_start3A_93 = tpu.memref_slice %arg2[%add3A, %dma_start3A_92] : memref<32x100001xf32, #tpu.memory_space<hbm>> -> memref<1x128xf32, #tpu.memory_space<hbm>>
    %dma_start3A_94 = tpu.memref_squeeze %dma_start3A_93 : memref<1x128xf32, #tpu.memory_space<hbm>> -> memref<128xf32, #tpu.memory_space<hbm>>
    tpu.enqueue_dma source(%dma_start3A_94 : memref<128xf32, #tpu.memory_space<hbm>>) target(%dma_start3A_91 : memref<128xf32, #tpu.memory_space<vmem>>) target_semaphore(%arg16 : memref<!tpu.dma_semaphore, #tpu.memory_space<semaphore_mem>>)
    %dma_start3A_95 = arith.constant 99456 : i32
    %dma_start3A_96 = tpu.memref_slice %arg10[%dma_start3A_95] : memref<100096xf32, #tpu.memory_space<vmem>> -> memref<128xf32, #tpu.memory_space<vmem>>
    %dma_start3A_97 = arith.constant 99456 : i32
    %dma_start3A_98 = tpu.memref_slice %arg2[%add3A, %dma_start3A_97] : memref<32x100001xf32, #tpu.memory_space<hbm>> -> memref<1x128xf32, #tpu.memory_space<hbm>>
    %dma_start3A_99 = tpu.memref_squeeze %dma_start3A_98 : memref<1x128xf32, #tpu.memory_space<hbm>> -> memref<128xf32, #tpu.memory_space<hbm>>
    %dma_start3A_100 = arith.constant 99456 : i32
    %dma_start3A_101 = tpu.memref_slice %arg10[%dma_start3A_100] : memref<100096xf32, #tpu.memory_space<vmem>> -> memref<128xf32, #tpu.memory_space<vmem>>
    %dma_start3A_102 = arith.constant 99456 : i32
    %dma_start3A_103 = tpu.memref_slice %arg2[%add3A, %dma_start3A_102] : memref<32x100001xf32, #tpu.memory_space<hbm>> -> memref<1x128xf32, #tpu.memory_space<hbm>>
    %dma_start3A_104 = tpu.memref_squeeze %dma_start3A_103 : memref<1x128xf32, #tpu.memory_space<hbm>> -> memref<128xf32, #tpu.memory_space<hbm>>
    tpu.enqueue_dma source(%dma_start3A_104 : memref<128xf32, #tpu.memory_space<hbm>>) target(%dma_start3A_101 : memref<128xf32, #tpu.memory_space<vmem>>) target_semaphore(%arg16 : memref<!tpu.dma_semaphore, #tpu.memory_space<semaphore_mem>>)
    %dma_start3A_105 = arith.constant 99584 : i32
    %dma_start3A_106 = tpu.memref_slice %arg10[%dma_start3A_105] : memref<100096xf32, #tpu.memory_space<vmem>> -> memref<128xf32, #tpu.memory_space<vmem>>
    %dma_start3A_107 = arith.constant 99584 : i32
    %dma_start3A_108 = tpu.memref_slice %arg2[%add3A, %dma_start3A_107] : memref<32x100001xf32, #tpu.memory_space<hbm>> -> memref<1x128xf32, #tpu.memory_space<hbm>>
    %dma_start3A_109 = tpu.memref_squeeze %dma_start3A_108 : memref<1x128xf32, #tpu.memory_space<hbm>> -> memref<128xf32, #tpu.memory_space<hbm>>
    %dma_start3A_110 = arith.constant 99584 : i32
    %dma_start3A_111 = tpu.memref_slice %arg10[%dma_start3A_110] : memref<100096xf32, #tpu.memory_space<vmem>> -> memref<128xf32, #tpu.memory_space<vmem>>
    %dma_start3A_112 = arith.constant 99584 : i32
    %dma_start3A_113 = tpu.memref_slice %arg2[%add3A, %dma_start3A_112] : memref<32x100001xf32, #tpu.memory_space<hbm>> -> memref<1x128xf32, #tpu.memory_space<hbm>>
    %dma_start3A_114 = tpu.memref_squeeze %dma_start3A_113 : memref<1x128xf32, #tpu.memory_space<hbm>> -> memref<128xf32, #tpu.memory_space<hbm>>
    tpu.enqueue_dma source(%dma_start3A_114 : memref<128xf32, #tpu.memory_space<hbm>>) target(%dma_start3A_111 : memref<128xf32, #tpu.memory_space<vmem>>) target_semaphore(%arg16 : memref<!tpu.dma_semaphore, #tpu.memory_space<semaphore_mem>>)
    %dma_start3A_115 = arith.constant 99712 : i32
    %dma_start3A_116 = tpu.memref_slice %arg10[%dma_start3A_115] : memref<100096xf32, #tpu.memory_space<vmem>> -> memref<128xf32, #tpu.memory_space<vmem>>
    %dma_start3A_117 = arith.constant 99712 : i32
    %dma_start3A_118 = tpu.memref_slice %arg2[%add3A, %dma_start3A_117] : memref<32x100001xf32, #tpu.memory_space<hbm>> -> memref<1x128xf32, #tpu.memory_space<hbm>>
    %dma_start3A_119 = tpu.memref_squeeze %dma_start3A_118 : memref<1x128xf32, #tpu.memory_space<hbm>> -> memref<128xf32, #tpu.memory_space<hbm>>
    %dma_start3A_120 = arith.constant 99712 : i32
    %dma_start3A_121 = tpu.memref_slice %arg10[%dma_start3A_120] : memref<100096xf32, #tpu.memory_space<vmem>> -> memref<128xf32, #tpu.memory_space<vmem>>
    %dma_start3A_122 = arith.constant 99712 : i32
    %dma_start3A_123 = tpu.memref_slice %arg2[%add3A, %dma_start3A_122] : memref<32x100001xf32, #tpu.memory_space<hbm>> -> memref<1x128xf32, #tpu.memory_space<hbm>>
    %dma_start3A_124 = tpu.memref_squeeze %dma_start3A_123 : memref<1x128xf32, #tpu.memory_space<hbm>> -> memref<128xf32, #tpu.memory_space<hbm>>
    tpu.enqueue_dma source(%dma_start3A_124 : memref<128xf32, #tpu.memory_space<hbm>>) target(%dma_start3A_121 : memref<128xf32, #tpu.memory_space<vmem>>) target_semaphore(%arg16 : memref<!tpu.dma_semaphore, #tpu.memory_space<semaphore_mem>>)
    %dma_start3A_125 = arith.constant 99840 : i32
    %dma_start3A_126 = tpu.memref_slice %arg10[%dma_start3A_125] : memref<100096xf32, #tpu.memory_space<vmem>> -> memref<128xf32, #tpu.memory_space<vmem>>
    %dma_start3A_127 = arith.constant 99840 : i32
    %dma_start3A_128 = tpu.memref_slice %arg2[%add3A, %dma_start3A_127] : memref<32x100001xf32, #tpu.memory_space<hbm>> -> memref<1x128xf32, #tpu.memory_space<hbm>>
    %dma_start3A_129 = tpu.memref_squeeze %dma_start3A_128 : memref<1x128xf32, #tpu.memory_space<hbm>> -> memref<128xf32, #tpu.memory_space<hbm>>
    %dma_start3A_130 = arith.constant 99840 : i32
    %dma_start3A_131 = tpu.memref_slice %arg10[%dma_start3A_130] : memref<100096xf32, #tpu.memory_space<vmem>> -> memref<128xf32, #tpu.memory_space<vmem>>
    %dma_start3A_132 = arith.constant 99840 : i32
    %dma_start3A_133 = tpu.memref_slice %arg2[%add3A, %dma_start3A_132] : memref<32x100001xf32, #tpu.memory_space<hbm>> -> memref<1x128xf32, #tpu.memory_space<hbm>>
    %dma_start3A_134 = tpu.memref_squeeze %dma_start3A_133 : memref<1x128xf32, #tpu.memory_space<hbm>> -> memref<128xf32, #tpu.memory_space<hbm>>
    tpu.enqueue_dma source(%dma_start3A_134 : memref<128xf32, #tpu.memory_space<hbm>>) target(%dma_start3A_131 : memref<128xf32, #tpu.memory_space<vmem>>) target_semaphore(%arg16 : memref<!tpu.dma_semaphore, #tpu.memory_space<semaphore_mem>>)
    %dma_start3A_135 = arith.constant 99968 : i32
    %dma_start3A_136 = tpu.memref_slice %arg10[%dma_start3A_135] : memref<100096xf32, #tpu.memory_space<vmem>> -> memref<128xf32, #tpu.memory_space<vmem>>
    %dma_start3A_137 = arith.constant 0 : i32
    %dma_start3A_138 = tpu.memref_slice %arg6[%add3A, %dma_start3A_137] : memref<32x128xf32, #tpu.memory_space<hbm>> -> memref<1x128xf32, #tpu.memory_space<hbm>>
    %dma_start3A_139 = tpu.memref_squeeze %dma_start3A_138 : memref<1x128xf32, #tpu.memory_space<hbm>> -> memref<128xf32, #tpu.memory_space<hbm>>
    %dma_start3A_140 = arith.constant 99968 : i32
    %dma_start3A_141 = tpu.memref_slice %arg10[%dma_start3A_140] : memref<100096xf32, #tpu.memory_space<vmem>> -> memref<128xf32, #tpu.memory_space<vmem>>
    %dma_start3A_142 = arith.constant 0 : i32
    %dma_start3A_143 = tpu.memref_slice %arg6[%add3A, %dma_start3A_142] : memref<32x128xf32, #tpu.memory_space<hbm>> -> memref<1x128xf32, #tpu.memory_space<hbm>>
    %dma_start3A_144 = tpu.memref_squeeze %dma_start3A_143 : memref<1x128xf32, #tpu.memory_space<hbm>> -> memref<128xf32, #tpu.memory_space<hbm>>
    tpu.enqueue_dma source(%dma_start3A_144 : memref<128xf32, #tpu.memory_space<hbm>>) target(%dma_start3A_141 : memref<128xf32, #tpu.memory_space<vmem>>) target_semaphore(%arg16 : memref<!tpu.dma_semaphore, #tpu.memory_space<semaphore_mem>>)
    %dma_start3A_145 = arith.constant 0 : i32
    %dma_start3A_146 = tpu.memref_slice %arg11[%dma_start3A_145] : memref<1024xf32, #tpu.memory_space<vmem>> -> memref<128xf32, #tpu.memory_space<vmem>>
    %dma_start3A_147 = arith.constant 0 : i32
    %dma_start3A_148 = tpu.memref_slice %arg4[%add3A, %dma_start3A_147] : memref<32x1001xf32, #tpu.memory_space<hbm>> -> memref<1x128xf32, #tpu.memory_space<hbm>>
    %dma_start3A_149 = tpu.memref_squeeze %dma_start3A_148 : memref<1x128xf32, #tpu.memory_space<hbm>> -> memref<128xf32, #tpu.memory_space<hbm>>
    %dma_start3A_150 = arith.constant 0 : i32
    %dma_start3A_151 = tpu.memref_slice %arg11[%dma_start3A_150] : memref<1024xf32, #tpu.memory_space<vmem>> -> memref<128xf32, #tpu.memory_space<vmem>>
    %dma_start3A_152 = arith.constant 0 : i32
    %dma_start3A_153 = tpu.memref_slice %arg4[%add3A, %dma_start3A_152] : memref<32x1001xf32, #tpu.memory_space<hbm>> -> memref<1x128xf32, #tpu.memory_space<hbm>>
    %dma_start3A_154 = tpu.memref_squeeze %dma_start3A_153 : memref<1x128xf32, #tpu.memory_space<hbm>> -> memref<128xf32, #tpu.memory_space<hbm>>
    tpu.enqueue_dma source(%dma_start3A_154 : memref<128xf32, #tpu.memory_space<hbm>>) target(%dma_start3A_151 : memref<128xf32, #tpu.memory_space<vmem>>) target_semaphore(%arg16 : memref<!tpu.dma_semaphore, #tpu.memory_space<semaphore_mem>>)
    %dma_start3A_155 = arith.constant 128 : i32
    %dma_start3A_156 = tpu.memref_slice %arg11[%dma_start3A_155] : memref<1024xf32, #tpu.memory_space<vmem>> -> memref<128xf32, #tpu.memory_space<vmem>>
    %dma_start3A_157 = arith.constant 128 : i32
    %dma_start3A_158 = tpu.memref_slice %arg4[%add3A, %dma_start3A_157] : memref<32x1001xf32, #tpu.memory_space<hbm>> -> memref<1x128xf32, #tpu.memory_space<hbm>>
    %dma_start3A_159 = tpu.memref_squeeze %dma_start3A_158 : memref<1x128xf32, #tpu.memory_space<hbm>> -> memref<128xf32, #tpu.memory_space<hbm>>
    %dma_start3A_160 = arith.constant 128 : i32
    %dma_start3A_161 = tpu.memref_slice %arg11[%dma_start3A_160] : memref<1024xf32, #tpu.memory_space<vmem>> -> memref<128xf32, #tpu.memory_space<vmem>>
    %dma_start3A_162 = arith.constant 128 : i32
    %dma_start3A_163 = tpu.memref_slice %arg4[%add3A, %dma_start3A_162] : memref<32x1001xf32, #tpu.memory_space<hbm>> -> memref<1x128xf32, #tpu.memory_space<hbm>>
    %dma_start3A_164 = tpu.memref_squeeze %dma_start3A_163 : memref<1x128xf32, #tpu.memory_space<hbm>> -> memref<128xf32, #tpu.memory_space<hbm>>
    tpu.enqueue_dma source(%dma_start3A_164 : memref<128xf32, #tpu.memory_space<hbm>>) target(%dma_start3A_161 : memref<128xf32, #tpu.memory_space<vmem>>) target_semaphore(%arg16 : memref<!tpu.dma_semaphore, #tpu.memory_space<semaphore_mem>>)
    %dma_start3A_165 = arith.constant 256 : i32
    %dma_start3A_166 = tpu.memref_slice %arg11[%dma_start3A_165] : memref<1024xf32, #tpu.memory_space<vmem>> -> memref<128xf32, #tpu.memory_space<vmem>>
    %dma_start3A_167 = arith.constant 256 : i32
    %dma_start3A_168 = tpu.memref_slice %arg4[%add3A, %dma_start3A_167] : memref<32x1001xf32, #tpu.memory_space<hbm>> -> memref<1x128xf32, #tpu.memory_space<hbm>>
    %dma_start3A_169 = tpu.memref_squeeze %dma_start3A_168 : memref<1x128xf32, #tpu.memory_space<hbm>> -> memref<128xf32, #tpu.memory_space<hbm>>
    %dma_start3A_170 = arith.constant 256 : i32
    %dma_start3A_171 = tpu.memref_slice %arg11[%dma_start3A_170] : memref<1024xf32, #tpu.memory_space<vmem>> -> memref<128xf32, #tpu.memory_space<vmem>>
    %dma_start3A_172 = arith.constant 256 : i32
    %dma_start3A_173 = tpu.memref_slice %arg4[%add3A, %dma_start3A_172] : memref<32x1001xf32, #tpu.memory_space<hbm>> -> memref<1x128xf32, #tpu.memory_space<hbm>>
    %dma_start3A_174 = tpu.memref_squeeze %dma_start3A_173 : memref<1x128xf32, #tpu.memory_space<hbm>> -> memref<128xf32, #tpu.memory_space<hbm>>
    tpu.enqueue_dma source(%dma_start3A_174 : memref<128xf32, #tpu.memory_space<hbm>>) target(%dma_start3A_171 : memref<128xf32, #tpu.memory_space<vmem>>) target_semaphore(%arg16 : memref<!tpu.dma_semaphore, #tpu.memory_space<semaphore_mem>>)
    %dma_start3A_175 = arith.constant 384 : i32
    %dma_start3A_176 = tpu.memref_slice %arg11[%dma_start3A_175] : memref<1024xf32, #tpu.memory_space<vmem>> -> memref<128xf32, #tpu.memory_space<vmem>>
    %dma_start3A_177 = arith.constant 384 : i32
    %dma_start3A_178 = tpu.memref_slice %arg4[%add3A, %dma_start3A_177] : memref<32x1001xf32, #tpu.memory_space<hbm>> -> memref<1x128xf32, #tpu.memory_space<hbm>>
    %dma_start3A_179 = tpu.memref_squeeze %dma_start3A_178 : memref<1x128xf32, #tpu.memory_space<hbm>> -> memref<128xf32, #tpu.memory_space<hbm>>
    %dma_start3A_180 = arith.constant 384 : i32
    %dma_start3A_181 = tpu.memref_slice %arg11[%dma_start3A_180] : memref<1024xf32, #tpu.memory_space<vmem>> -> memref<128xf32, #tpu.memory_space<vmem>>
    %dma_start3A_182 = arith.constant 384 : i32
    %dma_start3A_183 = tpu.memref_slice %arg4[%add3A, %dma_start3A_182] : memref<32x1001xf32, #tpu.memory_space<hbm>> -> memref<1x128xf32, #tpu.memory_space<hbm>>
    %dma_start3A_184 = tpu.memref_squeeze %dma_start3A_183 : memref<1x128xf32, #tpu.memory_space<hbm>> -> memref<128xf32, #tpu.memory_space<hbm>>
    tpu.enqueue_dma source(%dma_start3A_184 : memref<128xf32, #tpu.memory_space<hbm>>) target(%dma_start3A_181 : memref<128xf32, #tpu.memory_space<vmem>>) target_semaphore(%arg16 : memref<!tpu.dma_semaphore, #tpu.memory_space<semaphore_mem>>)
    %dma_start3A_185 = arith.constant 512 : i32
    %dma_start3A_186 = tpu.memref_slice %arg11[%dma_start3A_185] : memref<1024xf32, #tpu.memory_space<vmem>> -> memref<128xf32, #tpu.memory_space<vmem>>
    %dma_start3A_187 = arith.constant 512 : i32
    %dma_start3A_188 = tpu.memref_slice %arg4[%add3A, %dma_start3A_187] : memref<32x1001xf32, #tpu.memory_space<hbm>> -> memref<1x128xf32, #tpu.memory_space<hbm>>
    %dma_start3A_189 = tpu.memref_squeeze %dma_start3A_188 : memref<1x128xf32, #tpu.memory_space<hbm>> -> memref<128xf32, #tpu.memory_space<hbm>>
    %dma_start3A_190 = arith.constant 512 : i32
    %dma_start3A_191 = tpu.memref_slice %arg11[%dma_start3A_190] : memref<1024xf32, #tpu.memory_space<vmem>> -> memref<128xf32, #tpu.memory_space<vmem>>
    %dma_start3A_192 = arith.constant 512 : i32
    %dma_start3A_193 = tpu.memref_slice %arg4[%add3A, %dma_start3A_192] : memref<32x1001xf32, #tpu.memory_space<hbm>> -> memref<1x128xf32, #tpu.memory_space<hbm>>
    %dma_start3A_194 = tpu.memref_squeeze %dma_start3A_193 : memref<1x128xf32, #tpu.memory_space<hbm>> -> memref<128xf32, #tpu.memory_space<hbm>>
    tpu.enqueue_dma source(%dma_start3A_194 : memref<128xf32, #tpu.memory_space<hbm>>) target(%dma_start3A_191 : memref<128xf32, #tpu.memory_space<vmem>>) target_semaphore(%arg16 : memref<!tpu.dma_semaphore, #tpu.memory_space<semaphore_mem>>)
    %dma_start3A_195 = arith.constant 640 : i32
    %dma_start3A_196 = tpu.memref_slice %arg11[%dma_start3A_195] : memref<1024xf32, #tpu.memory_space<vmem>> -> memref<128xf32, #tpu.memory_space<vmem>>
    %dma_start3A_197 = arith.constant 640 : i32
    %dma_start3A_198 = tpu.memref_slice %arg4[%add3A, %dma_start3A_197] : memref<32x1001xf32, #tpu.memory_space<hbm>> -> memref<1x128xf32, #tpu.memory_space<hbm>>
    %dma_start3A_199 = tpu.memref_squeeze %dma_start3A_198 : memref<1x128xf32, #tpu.memory_space<hbm>> -> memref<128xf32, #tpu.memory_space<hbm>>
    %dma_start3A_200 = arith.constant 640 : i32
    %dma_start3A_201 = tpu.memref_slice %arg11[%dma_start3A_200] : memref<1024xf32, #tpu.memory_space<vmem>> -> memref<128xf32, #tpu.memory_space<vmem>>
    %dma_start3A_202 = arith.constant 640 : i32
    %dma_start3A_203 = tpu.memref_slice %arg4[%add3A, %dma_start3A_202] : memref<32x1001xf32, #tpu.memory_space<hbm>> -> memref<1x128xf32, #tpu.memory_space<hbm>>
    %dma_start3A_204 = tpu.memref_squeeze %dma_start3A_203 : memref<1x128xf32, #tpu.memory_space<hbm>> -> memref<128xf32, #tpu.memory_space<hbm>>
    tpu.enqueue_dma source(%dma_start3A_204 : memref<128xf32, #tpu.memory_space<hbm>>) target(%dma_start3A_201 : memref<128xf32, #tpu.memory_space<vmem>>) target_semaphore(%arg16 : memref<!tpu.dma_semaphore, #tpu.memory_space<semaphore_mem>>)
    %dma_start3A_205 = arith.constant 768 : i32
    %dma_start3A_206 = tpu.memref_slice %arg11[%dma_start3A_205] : memref<1024xf32, #tpu.memory_space<vmem>> -> memref<128xf32, #tpu.memory_space<vmem>>
    %dma_start3A_207 = arith.constant 768 : i32
    %dma_start3A_208 = tpu.memref_slice %arg4[%add3A, %dma_start3A_207] : memref<32x1001xf32, #tpu.memory_space<hbm>> -> memref<1x128xf32, #tpu.memory_space<hbm>>
    %dma_start3A_209 = tpu.memref_squeeze %dma_start3A_208 : memref<1x128xf32, #tpu.memory_space<hbm>> -> memref<128xf32, #tpu.memory_space<hbm>>
    %dma_start3A_210 = arith.constant 768 : i32
    %dma_start3A_211 = tpu.memref_slice %arg11[%dma_start3A_210] : memref<1024xf32, #tpu.memory_space<vmem>> -> memref<128xf32, #tpu.memory_space<vmem>>
    %dma_start3A_212 = arith.constant 768 : i32
    %dma_start3A_213 = tpu.memref_slice %arg4[%add3A, %dma_start3A_212] : memref<32x1001xf32, #tpu.memory_space<hbm>> -> memref<1x128xf32, #tpu.memory_space<hbm>>
    %dma_start3A_214 = tpu.memref_squeeze %dma_start3A_213 : memref<1x128xf32, #tpu.memory_space<hbm>> -> memref<128xf32, #tpu.memory_space<hbm>>
    tpu.enqueue_dma source(%dma_start3A_214 : memref<128xf32, #tpu.memory_space<hbm>>) target(%dma_start3A_211 : memref<128xf32, #tpu.memory_space<vmem>>) target_semaphore(%arg16 : memref<!tpu.dma_semaphore, #tpu.memory_space<semaphore_mem>>)
    %dma_start3A_215 = arith.constant 896 : i32
    %dma_start3A_216 = tpu.memref_slice %arg11[%dma_start3A_215] : memref<1024xf32, #tpu.memory_space<vmem>> -> memref<128xf32, #tpu.memory_space<vmem>>
    %dma_start3A_217 = arith.constant 0 : i32
    %dma_start3A_218 = tpu.memref_slice %arg7[%add3A, %dma_start3A_217] : memref<32x128xf32, #tpu.memory_space<hbm>> -> memref<1x128xf32, #tpu.memory_space<hbm>>
    %dma_start3A_219 = tpu.memref_squeeze %dma_start3A_218 : memref<1x128xf32, #tpu.memory_space<hbm>> -> memref<128xf32, #tpu.memory_space<hbm>>
    %dma_start3A_220 = arith.constant 896 : i32
    %dma_start3A_221 = tpu.memref_slice %arg11[%dma_start3A_220] : memref<1024xf32, #tpu.memory_space<vmem>> -> memref<128xf32, #tpu.memory_space<vmem>>
    %dma_start3A_222 = arith.constant 0 : i32
    %dma_start3A_223 = tpu.memref_slice %arg7[%add3A, %dma_start3A_222] : memref<32x128xf32, #tpu.memory_space<hbm>> -> memref<1x128xf32, #tpu.memory_space<hbm>>
    %dma_start3A_224 = tpu.memref_squeeze %dma_start3A_223 : memref<1x128xf32, #tpu.memory_space<hbm>> -> memref<128xf32, #tpu.memory_space<hbm>>
    tpu.enqueue_dma source(%dma_start3A_224 : memref<128xf32, #tpu.memory_space<hbm>>) target(%dma_start3A_221 : memref<128xf32, #tpu.memory_space<vmem>>) target_semaphore(%arg16 : memref<!tpu.dma_semaphore, #tpu.memory_space<semaphore_mem>>)
    "tpu.region"() ({
      %run_scoped3A = tpu.sem_alloc : memref<!tpu.dma_semaphore, #tpu.memory_space<semaphore_mem>>
      tpu.enqueue_dma source(%arg3 : memref<4096xi32, #tpu.memory_space<hbm>>) target(%arg12 : memref<4096xi32, #tpu.memory_space<vmem>>) target_semaphore(%run_scoped3A : memref<!tpu.dma_semaphore, #tpu.memory_space<semaphore_mem>>)
      tpu.wait_dma2 semaphore(%run_scoped3A : memref<!tpu.dma_semaphore, #tpu.memory_space<semaphore_mem>>) src(%arg3 : memref<4096xi32, #tpu.memory_space<hbm>>) dst(%arg12 : memref<4096xi32, #tpu.memory_space<vmem>>)
      tpu.yield
    }) : () -> ()
    "tpu.region"() ({
      %run_scoped3A = tpu.sem_alloc : memref<!tpu.dma_semaphore, #tpu.memory_space<semaphore_mem>>
      tpu.enqueue_dma source(%arg5 : memref<4096xi32, #tpu.memory_space<hbm>>) target(%arg13 : memref<4096xi32, #tpu.memory_space<vmem>>) target_semaphore(%run_scoped3A : memref<!tpu.dma_semaphore, #tpu.memory_space<semaphore_mem>>)
      tpu.wait_dma2 semaphore(%run_scoped3A : memref<!tpu.dma_semaphore, #tpu.memory_space<semaphore_mem>>) src(%arg5 : memref<4096xi32, #tpu.memory_space<hbm>>) dst(%arg13 : memref<4096xi32, #tpu.memory_space<vmem>>)
      tpu.yield
    }) : () -> ()
    %scan3A_225 = arith.constant 0 : i32
    %scan3A_226 = arith.constant 0 : i32
    %scan3A_227 = arith.constant 48 : i32
    %scan3A_228 = arith.addi %scan3A_226, %scan3A_227 : i32
    %scan3A_229 = arith.constant 1 : i32
    scf.for %scan3A_478 = %scan3A_226 to %scan3A_228 step %scan3A_229  : i32 {
      %dma_wait3A_479 = arith.constant 0 : i32
      %dma_wait3A_480 = arith.constant 0 : i32
      %dma_wait3A_481 = tpu.memref_slice %arg10[%dma_wait3A_480] : memref<100096xf32, #tpu.memory_space<vmem>> -> memref<128xf32, #tpu.memory_space<vmem>>
      %dma_wait3A_482 = arith.constant 0 : i32
      %dma_wait3A_483 = tpu.memref_slice %arg2[%dma_wait3A_479, %dma_wait3A_482] : memref<32x100001xf32, #tpu.memory_space<hbm>> -> memref<1x128xf32, #tpu.memory_space<hbm>>
      %dma_wait3A_484 = tpu.memref_squeeze %dma_wait3A_483 : memref<1x128xf32, #tpu.memory_space<hbm>> -> memref<128xf32, #tpu.memory_space<hbm>>
      %dma_wait3A_485 = arith.constant 0 : i32
      %dma_wait3A_486 = tpu.memref_slice %arg10[%dma_wait3A_485] : memref<100096xf32, #tpu.memory_space<vmem>> -> memref<128xf32, #tpu.memory_space<vmem>>
      %dma_wait3A_487 = arith.constant 0 : i32
      %dma_wait3A_488 = tpu.memref_slice %arg2[%dma_wait3A_479, %dma_wait3A_487] : memref<32x100001xf32, #tpu.memory_space<hbm>> -> memref<1x128xf32, #tpu.memory_space<hbm>>
      %dma_wait3A_489 = tpu.memref_squeeze %dma_wait3A_488 : memref<1x128xf32, #tpu.memory_space<hbm>> -> memref<128xf32, #tpu.memory_space<hbm>>
      tpu.wait_dma2 semaphore(%arg16 : memref<!tpu.dma_semaphore, #tpu.memory_space<semaphore_mem>>) src(%dma_wait3A_489 : memref<128xf32, #tpu.memory_space<hbm>>) dst(%dma_wait3A_486 : memref<128xf32, #tpu.memory_space<vmem>>)
      %dma_wait3A_490 = arith.constant 0 : i32
      %dma_wait3A_491 = arith.constant 0 : i32
      %dma_wait3A_492 = tpu.memref_slice %arg10[%dma_wait3A_491] : memref<100096xf32, #tpu.memory_space<vmem>> -> memref<128xf32, #tpu.memory_space<vmem>>
      %dma_wait3A_493 = arith.constant 0 : i32
      %dma_wait3A_494 = tpu.memref_slice %arg2[%dma_wait3A_490, %dma_wait3A_493] : memref<32x100001xf32, #tpu.memory_space<hbm>> -> memref<1x128xf32, #tpu.memory_space<hbm>>
      %dma_wait3A_495 = tpu.memref_squeeze %dma_wait3A_494 : memref<1x128xf32, #tpu.memory_space<hbm>> -> memref<128xf32, #tpu.memory_space<hbm>>
      %dma_wait3A_496 = arith.constant 0 : i32
      %dma_wait3A_497 = tpu.memref_slice %arg10[%dma_wait3A_496] : memref<100096xf32, #tpu.memory_space<vmem>> -> memref<128xf32, #tpu.memory_space<vmem>>
      %dma_wait3A_498 = arith.constant 0 : i32
      %dma_wait3A_499 = tpu.memref_slice %arg2[%dma_wait3A_490, %dma_wait3A_498] : memref<32x100001xf32, #tpu.memory_space<hbm>> -> memref<1x128xf32, #tpu.memory_space<hbm>>
      %dma_wait3A_500 = tpu.memref_squeeze %dma_wait3A_499 : memref<1x128xf32, #tpu.memory_space<hbm>> -> memref<128xf32, #tpu.memory_space<hbm>>
      tpu.wait_dma2 semaphore(%arg16 : memref<!tpu.dma_semaphore, #tpu.memory_space<semaphore_mem>>) src(%dma_wait3A_500 : memref<128xf32, #tpu.memory_space<hbm>>) dst(%dma_wait3A_497 : memref<128xf32, #tpu.memory_space<vmem>>)
      %dma_wait3A_501 = arith.constant 0 : i32
      %dma_wait3A_502 = arith.constant 0 : i32
      %dma_wait3A_503 = tpu.memref_slice %arg10[%dma_wait3A_502] : memref<100096xf32, #tpu.memory_space<vmem>> -> memref<128xf32, #tpu.memory_space<vmem>>
      %dma_wait3A_504 = arith.constant 0 : i32
      %dma_wait3A_505 = tpu.memref_slice %arg2[%dma_wait3A_501, %dma_wait3A_504] : memref<32x100001xf32, #tpu.memory_space<hbm>> -> memref<1x128xf32, #tpu.memory_space<hbm>>
      %dma_wait3A_506 = tpu.memref_squeeze %dma_wait3A_505 : memref<1x128xf32, #tpu.memory_space<hbm>> -> memref<128xf32, #tpu.memory_space<hbm>>
      %dma_wait3A_507 = arith.constant 0 : i32
      %dma_wait3A_508 = tpu.memref_slice %arg10[%dma_wait3A_507] : memref<100096xf32, #tpu.memory_space<vmem>> -> memref<128xf32, #tpu.memory_space<vmem>>
      %dma_wait3A_509 = arith.constant 0 : i32
      %dma_wait3A_510 = tpu.memref_slice %arg2[%dma_wait3A_501, %dma_wait3A_509] : memref<32x100001xf32, #tpu.memory_space<hbm>> -> memref<1x128xf32, #tpu.memory_space<hbm>>
      %dma_wait3A_511 = tpu.memref_squeeze %dma_wait3A_510 : memref<1x128xf32, #tpu.memory_space<hbm>> -> memref<128xf32, #tpu.memory_space<hbm>>
      tpu.wait_dma2 semaphore(%arg16 : memref<!tpu.dma_semaphore, #tpu.memory_space<semaphore_mem>>) src(%dma_wait3A_511 : memref<128xf32, #tpu.memory_space<hbm>>) dst(%dma_wait3A_508 : memref<128xf32, #tpu.memory_space<vmem>>)
      %dma_wait3A_512 = arith.constant 0 : i32
      %dma_wait3A_513 = arith.constant 0 : i32
      %dma_wait3A_514 = tpu.memref_slice %arg10[%dma_wait3A_513] : memref<100096xf32, #tpu.memory_space<vmem>> -> memref<128xf32, #tpu.memory_space<vmem>>
      %dma_wait3A_515 = arith.constant 0 : i32
      %dma_wait3A_516 = tpu.memref_slice %arg2[%dma_wait3A_512, %dma_wait3A_515] : memref<32x100001xf32, #tpu.memory_space<hbm>> -> memref<1x128xf32, #tpu.memory_space<hbm>>
      %dma_wait3A_517 = tpu.memref_squeeze %dma_wait3A_516 : memref<1x128xf32, #tpu.memory_space<hbm>> -> memref<128xf32, #tpu.memory_space<hbm>>
      %dma_wait3A_518 = arith.constant 0 : i32
      %dma_wait3A_519 = tpu.memref_slice %arg10[%dma_wait3A_518] : memref<100096xf32, #tpu.memory_space<vmem>> -> memref<128xf32, #tpu.memory_space<vmem>>
      %dma_wait3A_520 = arith.constant 0 : i32
      %dma_wait3A_521 = tpu.memref_slice %arg2[%dma_wait3A_512, %dma_wait3A_520] : memref<32x100001xf32, #tpu.memory_space<hbm>> -> memref<1x128xf32, #tpu.memory_space<hbm>>
      %dma_wait3A_522 = tpu.memref_squeeze %dma_wait3A_521 : memref<1x128xf32, #tpu.memory_space<hbm>> -> memref<128xf32, #tpu.memory_space<hbm>>
      tpu.wait_dma2 semaphore(%arg16 : memref<!tpu.dma_semaphore, #tpu.memory_space<semaphore_mem>>) src(%dma_wait3A_522 : memref<128xf32, #tpu.memory_space<hbm>>) dst(%dma_wait3A_519 : memref<128xf32, #tpu.memory_space<vmem>>)
      %dma_wait3A_523 = arith.constant 0 : i32
      %dma_wait3A_524 = arith.constant 0 : i32
      %dma_wait3A_525 = tpu.memref_slice %arg10[%dma_wait3A_524] : memref<100096xf32, #tpu.memory_space<vmem>> -> memref<128xf32, #tpu.memory_space<vmem>>
      %dma_wait3A_526 = arith.constant 0 : i32
      %dma_wait3A_527 = tpu.memref_slice %arg2[%dma_wait3A_523, %dma_wait3A_526] : memref<32x100001xf32, #tpu.memory_space<hbm>> -> memref<1x128xf32, #tpu.memory_space<hbm>>
      %dma_wait3A_528 = tpu.memref_squeeze %dma_wait3A_527 : memref<1x128xf32, #tpu.memory_space<hbm>> -> memref<128xf32, #tpu.memory_space<hbm>>
      %dma_wait3A_529 = arith.constant 0 : i32
      %dma_wait3A_530 = tpu.memref_slice %arg10[%dma_wait3A_529] : memref<100096xf32, #tpu.memory_space<vmem>> -> memref<128xf32, #tpu.memory_space<vmem>>
      %dma_wait3A_531 = arith.constant 0 : i32
      %dma_wait3A_532 = tpu.memref_slice %arg2[%dma_wait3A_523, %dma_wait3A_531] : memref<32x100001xf32, #tpu.memory_space<hbm>> -> memref<1x128xf32, #tpu.memory_space<hbm>>
      %dma_wait3A_533 = tpu.memref_squeeze %dma_wait3A_532 : memref<1x128xf32, #tpu.memory_space<hbm>> -> memref<128xf32, #tpu.memory_space<hbm>>
      tpu.wait_dma2 semaphore(%arg16 : memref<!tpu.dma_semaphore, #tpu.memory_space<semaphore_mem>>) src(%dma_wait3A_533 : memref<128xf32, #tpu.memory_space<hbm>>) dst(%dma_wait3A_530 : memref<128xf32, #tpu.memory_space<vmem>>)
      %dma_wait3A_534 = arith.constant 0 : i32
      %dma_wait3A_535 = arith.constant 0 : i32
      %dma_wait3A_536 = tpu.memref_slice %arg10[%dma_wait3A_535] : memref<100096xf32, #tpu.memory_space<vmem>> -> memref<128xf32, #tpu.memory_space<vmem>>
      %dma_wait3A_537 = arith.constant 0 : i32
      %dma_wait3A_538 = tpu.memref_slice %arg2[%dma_wait3A_534, %dma_wait3A_537] : memref<32x100001xf32, #tpu.memory_space<hbm>> -> memref<1x128xf32, #tpu.memory_space<hbm>>
      %dma_wait3A_539 = tpu.memref_squeeze %dma_wait3A_538 : memref<1x128xf32, #tpu.memory_space<hbm>> -> memref<128xf32, #tpu.memory_space<hbm>>
      %dma_wait3A_540 = arith.constant 0 : i32
      %dma_wait3A_541 = tpu.memref_slice %arg10[%dma_wait3A_540] : memref<100096xf32, #tpu.memory_space<vmem>> -> memref<128xf32, #tpu.memory_space<vmem>>
      %dma_wait3A_542 = arith.constant 0 : i32
      %dma_wait3A_543 = tpu.memref_slice %arg2[%dma_wait3A_534, %dma_wait3A_542] : memref<32x100001xf32, #tpu.memory_space<hbm>> -> memref<1x128xf32, #tpu.memory_space<hbm>>
      %dma_wait3A_544 = tpu.memref_squeeze %dma_wait3A_543 : memref<1x128xf32, #tpu.memory_space<hbm>> -> memref<128xf32, #tpu.memory_space<hbm>>
      tpu.wait_dma2 semaphore(%arg16 : memref<!tpu.dma_semaphore, #tpu.memory_space<semaphore_mem>>) src(%dma_wait3A_544 : memref<128xf32, #tpu.memory_space<hbm>>) dst(%dma_wait3A_541 : memref<128xf32, #tpu.memory_space<vmem>>)
      %dma_wait3A_545 = arith.constant 0 : i32
      %dma_wait3A_546 = arith.constant 0 : i32
      %dma_wait3A_547 = tpu.memref_slice %arg10[%dma_wait3A_546] : memref<100096xf32, #tpu.memory_space<vmem>> -> memref<128xf32, #tpu.memory_space<vmem>>
      %dma_wait3A_548 = arith.constant 0 : i32
      %dma_wait3A_549 = tpu.memref_slice %arg2[%dma_wait3A_545, %dma_wait3A_548] : memref<32x100001xf32, #tpu.memory_space<hbm>> -> memref<1x128xf32, #tpu.memory_space<hbm>>
      %dma_wait3A_550 = tpu.memref_squeeze %dma_wait3A_549 : memref<1x128xf32, #tpu.memory_space<hbm>> -> memref<128xf32, #tpu.memory_space<hbm>>
      %dma_wait3A_551 = arith.constant 0 : i32
      %dma_wait3A_552 = tpu.memref_slice %arg10[%dma_wait3A_551] : memref<100096xf32, #tpu.memory_space<vmem>> -> memref<128xf32, #tpu.memory_space<vmem>>
      %dma_wait3A_553 = arith.constant 0 : i32
      %dma_wait3A_554 = tpu.memref_slice %arg2[%dma_wait3A_545, %dma_wait3A_553] : memref<32x100001xf32, #tpu.memory_space<hbm>> -> memref<1x128xf32, #tpu.memory_space<hbm>>
      %dma_wait3A_555 = tpu.memref_squeeze %dma_wait3A_554 : memref<1x128xf32, #tpu.memory_space<hbm>> -> memref<128xf32, #tpu.memory_space<hbm>>
      tpu.wait_dma2 semaphore(%arg16 : memref<!tpu.dma_semaphore, #tpu.memory_space<semaphore_mem>>) src(%dma_wait3A_555 : memref<128xf32, #tpu.memory_space<hbm>>) dst(%dma_wait3A_552 : memref<128xf32, #tpu.memory_space<vmem>>)
      %dma_wait3A_556 = arith.constant 0 : i32
      %dma_wait3A_557 = arith.constant 0 : i32
      %dma_wait3A_558 = tpu.memref_slice %arg10[%dma_wait3A_557] : memref<100096xf32, #tpu.memory_space<vmem>> -> memref<128xf32, #tpu.memory_space<vmem>>
      %dma_wait3A_559 = arith.constant 0 : i32
      %dma_wait3A_560 = tpu.memref_slice %arg2[%dma_wait3A_556, %dma_wait3A_559] : memref<32x100001xf32, #tpu.memory_space<hbm>> -> memref<1x128xf32, #tpu.memory_space<hbm>>
      %dma_wait3A_561 = tpu.memref_squeeze %dma_wait3A_560 : memref<1x128xf32, #tpu.memory_space<hbm>> -> memref<128xf32, #tpu.memory_space<hbm>>
      %dma_wait3A_562 = arith.constant 0 : i32
      %dma_wait3A_563 = tpu.memref_slice %arg10[%dma_wait3A_562] : memref<100096xf32, #tpu.memory_space<vmem>> -> memref<128xf32, #tpu.memory_space<vmem>>
      %dma_wait3A_564 = arith.constant 0 : i32
      %dma_wait3A_565 = tpu.memref_slice %arg2[%dma_wait3A_556, %dma_wait3A_564] : memref<32x100001xf32, #tpu.memory_space<hbm>> -> memref<1x128xf32, #tpu.memory_space<hbm>>
      %dma_wait3A_566 = tpu.memref_squeeze %dma_wait3A_565 : memref<1x128xf32, #tpu.memory_space<hbm>> -> memref<128xf32, #tpu.memory_space<hbm>>
      tpu.wait_dma2 semaphore(%arg16 : memref<!tpu.dma_semaphore, #tpu.memory_space<semaphore_mem>>) src(%dma_wait3A_566 : memref<128xf32, #tpu.memory_space<hbm>>) dst(%dma_wait3A_563 : memref<128xf32, #tpu.memory_space<vmem>>)
      %dma_wait3A_567 = arith.constant 0 : i32
      %dma_wait3A_568 = arith.constant 0 : i32
      %dma_wait3A_569 = tpu.memref_slice %arg10[%dma_wait3A_568] : memref<100096xf32, #tpu.memory_space<vmem>> -> memref<128xf32, #tpu.memory_space<vmem>>
      %dma_wait3A_570 = arith.constant 0 : i32
      %dma_wait3A_571 = tpu.memref_slice %arg2[%dma_wait3A_567, %dma_wait3A_570] : memref<32x100001xf32, #tpu.memory_space<hbm>> -> memref<1x128xf32, #tpu.memory_space<hbm>>
      %dma_wait3A_572 = tpu.memref_squeeze %dma_wait3A_571 : memref<1x128xf32, #tpu.memory_space<hbm>> -> memref<128xf32, #tpu.memory_space<hbm>>
      %dma_wait3A_573 = arith.constant 0 : i32
      %dma_wait3A_574 = tpu.memref_slice %arg10[%dma_wait3A_573] : memref<100096xf32, #tpu.memory_space<vmem>> -> memref<128xf32, #tpu.memory_space<vmem>>
      %dma_wait3A_575 = arith.constant 0 : i32
      %dma_wait3A_576 = tpu.memref_slice %arg2[%dma_wait3A_567, %dma_wait3A_575] : memref<32x100001xf32, #tpu.memory_space<hbm>> -> memref<1x128xf32, #tpu.memory_space<hbm>>
      %dma_wait3A_577 = tpu.memref_squeeze %dma_wait3A_576 : memref<1x128xf32, #tpu.memory_space<hbm>> -> memref<128xf32, #tpu.memory_space<hbm>>
      tpu.wait_dma2 semaphore(%arg16 : memref<!tpu.dma_semaphore, #tpu.memory_space<semaphore_mem>>) src(%dma_wait3A_577 : memref<128xf32, #tpu.memory_space<hbm>>) dst(%dma_wait3A_574 : memref<128xf32, #tpu.memory_space<vmem>>)
      %dma_wait3A_578 = arith.constant 0 : i32
      %dma_wait3A_579 = arith.constant 0 : i32
      %dma_wait3A_580 = tpu.memref_slice %arg10[%dma_wait3A_579] : memref<100096xf32, #tpu.memory_space<vmem>> -> memref<128xf32, #tpu.memory_space<vmem>>
      %dma_wait3A_581 = arith.constant 0 : i32
      %dma_wait3A_582 = tpu.memref_slice %arg2[%dma_wait3A_578, %dma_wait3A_581] : memref<32x100001xf32, #tpu.memory_space<hbm>> -> memref<1x128xf32, #tpu.memory_space<hbm>>
      %dma_wait3A_583 = tpu.memref_squeeze %dma_wait3A_582 : memref<1x128xf32, #tpu.memory_space<hbm>> -> memref<128xf32, #tpu.memory_space<hbm>>
      %dma_wait3A_584 = arith.constant 0 : i32
      %dma_wait3A_585 = tpu.memref_slice %arg10[%dma_wait3A_584] : memref<100096xf32, #tpu.memory_space<vmem>> -> memref<128xf32, #tpu.memory_space<vmem>>
      %dma_wait3A_586 = arith.constant 0 : i32
      %dma_wait3A_587 = tpu.memref_slice %arg2[%dma_wait3A_578, %dma_wait3A_586] : memref<32x100001xf32, #tpu.memory_space<hbm>> -> memref<1x128xf32, #tpu.memory_space<hbm>>
      %dma_wait3A_588 = tpu.memref_squeeze %dma_wait3A_587 : memref<1x128xf32, #tpu.memory_space<hbm>> -> memref<128xf32, #tpu.memory_space<hbm>>
      tpu.wait_dma2 semaphore(%arg16 : memref<!tpu.dma_semaphore, #tpu.memory_space<semaphore_mem>>) src(%dma_wait3A_588 : memref<128xf32, #tpu.memory_space<hbm>>) dst(%dma_wait3A_585 : memref<128xf32, #tpu.memory_space<vmem>>)
      %dma_wait3A_589 = arith.constant 0 : i32
      %dma_wait3A_590 = arith.constant 0 : i32
      %dma_wait3A_591 = tpu.memref_slice %arg10[%dma_wait3A_590] : memref<100096xf32, #tpu.memory_space<vmem>> -> memref<128xf32, #tpu.memory_space<vmem>>
      %dma_wait3A_592 = arith.constant 0 : i32
      %dma_wait3A_593 = tpu.memref_slice %arg2[%dma_wait3A_589, %dma_wait3A_592] : memref<32x100001xf32, #tpu.memory_space<hbm>> -> memref<1x128xf32, #tpu.memory_space<hbm>>
      %dma_wait3A_594 = tpu.memref_squeeze %dma_wait3A_593 : memref<1x128xf32, #tpu.memory_space<hbm>> -> memref<128xf32, #tpu.memory_space<hbm>>
      %dma_wait3A_595 = arith.constant 0 : i32
      %dma_wait3A_596 = tpu.memref_slice %arg10[%dma_wait3A_595] : memref<100096xf32, #tpu.memory_space<vmem>> -> memref<128xf32, #tpu.memory_space<vmem>>
      %dma_wait3A_597 = arith.constant 0 : i32
      %dma_wait3A_598 = tpu.memref_slice %arg2[%dma_wait3A_589, %dma_wait3A_597] : memref<32x100001xf32, #tpu.memory_space<hbm>> -> memref<1x128xf32, #tpu.memory_space<hbm>>
      %dma_wait3A_599 = tpu.memref_squeeze %dma_wait3A_598 : memref<1x128xf32, #tpu.memory_space<hbm>> -> memref<128xf32, #tpu.memory_space<hbm>>
      tpu.wait_dma2 semaphore(%arg16 : memref<!tpu.dma_semaphore, #tpu.memory_space<semaphore_mem>>) src(%dma_wait3A_599 : memref<128xf32, #tpu.memory_space<hbm>>) dst(%dma_wait3A_596 : memref<128xf32, #tpu.memory_space<vmem>>)
      %dma_wait3A_600 = arith.constant 0 : i32
      %dma_wait3A_601 = arith.constant 0 : i32
      %dma_wait3A_602 = tpu.memref_slice %arg10[%dma_wait3A_601] : memref<100096xf32, #tpu.memory_space<vmem>> -> memref<128xf32, #tpu.memory_space<vmem>>
      %dma_wait3A_603 = arith.constant 0 : i32
      %dma_wait3A_604 = tpu.memref_slice %arg2[%dma_wait3A_600, %dma_wait3A_603] : memref<32x100001xf32, #tpu.memory_space<hbm>> -> memref<1x128xf32, #tpu.memory_space<hbm>>
      %dma_wait3A_605 = tpu.memref_squeeze %dma_wait3A_604 : memref<1x128xf32, #tpu.memory_space<hbm>> -> memref<128xf32, #tpu.memory_space<hbm>>
      %dma_wait3A_606 = arith.constant 0 : i32
      %dma_wait3A_607 = tpu.memref_slice %arg10[%dma_wait3A_606] : memref<100096xf32, #tpu.memory_space<vmem>> -> memref<128xf32, #tpu.memory_space<vmem>>
      %dma_wait3A_608 = arith.constant 0 : i32
      %dma_wait3A_609 = tpu.memref_slice %arg2[%dma_wait3A_600, %dma_wait3A_608] : memref<32x100001xf32, #tpu.memory_space<hbm>> -> memref<1x128xf32, #tpu.memory_space<hbm>>
      %dma_wait3A_610 = tpu.memref_squeeze %dma_wait3A_609 : memref<1x128xf32, #tpu.memory_space<hbm>> -> memref<128xf32, #tpu.memory_space<hbm>>
      tpu.wait_dma2 semaphore(%arg16 : memref<!tpu.dma_semaphore, #tpu.memory_space<semaphore_mem>>) src(%dma_wait3A_610 : memref<128xf32, #tpu.memory_space<hbm>>) dst(%dma_wait3A_607 : memref<128xf32, #tpu.memory_space<vmem>>)
      %dma_wait3A_611 = arith.constant 0 : i32
      %dma_wait3A_612 = arith.constant 0 : i32
      %dma_wait3A_613 = tpu.memref_slice %arg10[%dma_wait3A_612] : memref<100096xf32, #tpu.memory_space<vmem>> -> memref<128xf32, #tpu.memory_space<vmem>>
      %dma_wait3A_614 = arith.constant 0 : i32
      %dma_wait3A_615 = tpu.memref_slice %arg2[%dma_wait3A_611, %dma_wait3A_614] : memref<32x100001xf32, #tpu.memory_space<hbm>> -> memref<1x128xf32, #tpu.memory_space<hbm>>
      %dma_wait3A_616 = tpu.memref_squeeze %dma_wait3A_615 : memref<1x128xf32, #tpu.memory_space<hbm>> -> memref<128xf32, #tpu.memory_space<hbm>>
      %dma_wait3A_617 = arith.constant 0 : i32
      %dma_wait3A_618 = tpu.memref_slice %arg10[%dma_wait3A_617] : memref<100096xf32, #tpu.memory_space<vmem>> -> memref<128xf32, #tpu.memory_space<vmem>>
      %dma_wait3A_619 = arith.constant 0 : i32
      %dma_wait3A_620 = tpu.memref_slice %arg2[%dma_wait3A_611, %dma_wait3A_619] : memref<32x100001xf32, #tpu.memory_space<hbm>> -> memref<1x128xf32, #tpu.memory_space<hbm>>
      %dma_wait3A_621 = tpu.memref_squeeze %dma_wait3A_620 : memref<1x128xf32, #tpu.memory_space<hbm>> -> memref<128xf32, #tpu.memory_space<hbm>>
      tpu.wait_dma2 semaphore(%arg16 : memref<!tpu.dma_semaphore, #tpu.memory_space<semaphore_mem>>) src(%dma_wait3A_621 : memref<128xf32, #tpu.memory_space<hbm>>) dst(%dma_wait3A_618 : memref<128xf32, #tpu.memory_space<vmem>>)
      %dma_wait3A_622 = arith.constant 0 : i32
      %dma_wait3A_623 = arith.constant 0 : i32
      %dma_wait3A_624 = tpu.memref_slice %arg10[%dma_wait3A_623] : memref<100096xf32, #tpu.memory_space<vmem>> -> memref<128xf32, #tpu.memory_space<vmem>>
      %dma_wait3A_625 = arith.constant 0 : i32
      %dma_wait3A_626 = tpu.memref_slice %arg2[%dma_wait3A_622, %dma_wait3A_625] : memref<32x100001xf32, #tpu.memory_space<hbm>> -> memref<1x128xf32, #tpu.memory_space<hbm>>
      %dma_wait3A_627 = tpu.memref_squeeze %dma_wait3A_626 : memref<1x128xf32, #tpu.memory_space<hbm>> -> memref<128xf32, #tpu.memory_space<hbm>>
      %dma_wait3A_628 = arith.constant 0 : i32
      %dma_wait3A_629 = tpu.memref_slice %arg10[%dma_wait3A_628] : memref<100096xf32, #tpu.memory_space<vmem>> -> memref<128xf32, #tpu.memory_space<vmem>>
      %dma_wait3A_630 = arith.constant 0 : i32
      %dma_wait3A_631 = tpu.memref_slice %arg2[%dma_wait3A_622, %dma_wait3A_630] : memref<32x100001xf32, #tpu.memory_space<hbm>> -> memref<1x128xf32, #tpu.memory_space<hbm>>
      %dma_wait3A_632 = tpu.memref_squeeze %dma_wait3A_631 : memref<1x128xf32, #tpu.memory_space<hbm>> -> memref<128xf32, #tpu.memory_space<hbm>>
      tpu.wait_dma2 semaphore(%arg16 : memref<!tpu.dma_semaphore, #tpu.memory_space<semaphore_mem>>) src(%dma_wait3A_632 : memref<128xf32, #tpu.memory_space<hbm>>) dst(%dma_wait3A_629 : memref<128xf32, #tpu.memory_space<vmem>>)
      %dma_wait3A_633 = arith.constant 0 : i32
      %dma_wait3A_634 = arith.constant 0 : i32
      %dma_wait3A_635 = tpu.memref_slice %arg10[%dma_wait3A_634] : memref<100096xf32, #tpu.memory_space<vmem>> -> memref<128xf32, #tpu.memory_space<vmem>>
      %dma_wait3A_636 = arith.constant 0 : i32
      %dma_wait3A_637 = tpu.memref_slice %arg2[%dma_wait3A_633, %dma_wait3A_636] : memref<32x100001xf32, #tpu.memory_space<hbm>> -> memref<1x128xf32, #tpu.memory_space<hbm>>
      %dma_wait3A_638 = tpu.memref_squeeze %dma_wait3A_637 : memref<1x128xf32, #tpu.memory_space<hbm>> -> memref<128xf32, #tpu.memory_space<hbm>>
      %dma_wait3A_639 = arith.constant 0 : i32
      %dma_wait3A_640 = tpu.memref_slice %arg10[%dma_wait3A_639] : memref<100096xf32, #tpu.memory_space<vmem>> -> memref<128xf32, #tpu.memory_space<vmem>>
      %dma_wait3A_641 = arith.constant 0 : i32
      %dma_wait3A_642 = tpu.memref_slice %arg2[%dma_wait3A_633, %dma_wait3A_641] : memref<32x100001xf32, #tpu.memory_space<hbm>> -> memref<1x128xf32, #tpu.memory_space<hbm>>
      %dma_wait3A_643 = tpu.memref_squeeze %dma_wait3A_642 : memref<1x128xf32, #tpu.memory_space<hbm>> -> memref<128xf32, #tpu.memory_space<hbm>>
      tpu.wait_dma2 semaphore(%arg16 : memref<!tpu.dma_semaphore, #tpu.memory_space<semaphore_mem>>) src(%dma_wait3A_643 : memref<128xf32, #tpu.memory_space<hbm>>) dst(%dma_wait3A_640 : memref<128xf32, #tpu.memory_space<vmem>>)
      %dma_wait3A_644 = arith.constant 0 : i32
      %dma_wait3A_645 = arith.constant 0 : i32
      %dma_wait3A_646 = tpu.memref_slice %arg10[%dma_wait3A_645] : memref<100096xf32, #tpu.memory_space<vmem>> -> memref<128xf32, #tpu.memory_space<vmem>>
      %dma_wait3A_647 = arith.constant 0 : i32
      %dma_wait3A_648 = tpu.memref_slice %arg2[%dma_wait3A_644, %dma_wait3A_647] : memref<32x100001xf32, #tpu.memory_space<hbm>> -> memref<1x128xf32, #tpu.memory_space<hbm>>
      %dma_wait3A_649 = tpu.memref_squeeze %dma_wait3A_648 : memref<1x128xf32, #tpu.memory_space<hbm>> -> memref<128xf32, #tpu.memory_space<hbm>>
      %dma_wait3A_650 = arith.constant 0 : i32
      %dma_wait3A_651 = tpu.memref_slice %arg10[%dma_wait3A_650] : memref<100096xf32, #tpu.memory_space<vmem>> -> memref<128xf32, #tpu.memory_space<vmem>>
      %dma_wait3A_652 = arith.constant 0 : i32
      %dma_wait3A_653 = tpu.memref_slice %arg2[%dma_wait3A_644, %dma_wait3A_652] : memref<32x100001xf32, #tpu.memory_space<hbm>> -> memref<1x128xf32, #tpu.memory_space<hbm>>
      %dma_wait3A_654 = tpu.memref_squeeze %dma_wait3A_653 : memref<1x128xf32, #tpu.memory_space<hbm>> -> memref<128xf32, #tpu.memory_space<hbm>>
      tpu.wait_dma2 semaphore(%arg16 : memref<!tpu.dma_semaphore, #tpu.memory_space<semaphore_mem>>) src(%dma_wait3A_654 : memref<128xf32, #tpu.memory_space<hbm>>) dst(%dma_wait3A_651 : memref<128xf32, #tpu.memory_space<vmem>>)
    }
    %scan3A_230 = arith.constant 48 : i32
    %dma_wait3A = arith.constant 0 : i32
    %dma_wait3A_231 = arith.constant 0 : i32
    %dma_wait3A_232 = tpu.memref_slice %arg10[%dma_wait3A_231] : memref<100096xf32, #tpu.memory_space<vmem>> -> memref<128xf32, #tpu.memory_space<vmem>>
    %dma_wait3A_233 = arith.constant 0 : i32
    %dma_wait3A_234 = tpu.memref_slice %arg2[%dma_wait3A, %dma_wait3A_233] : memref<32x100001xf32, #tpu.memory_space<hbm>> -> memref<1x128xf32, #tpu.memory_space<hbm>>
    %dma_wait3A_235 = tpu.memref_squeeze %dma_wait3A_234 : memref<1x128xf32, #tpu.memory_space<hbm>> -> memref<128xf32, #tpu.memory_space<hbm>>
    %dma_wait3A_236 = arith.constant 0 : i32
    %dma_wait3A_237 = tpu.memref_slice %arg10[%dma_wait3A_236] : memref<100096xf32, #tpu.memory_space<vmem>> -> memref<128xf32, #tpu.memory_space<vmem>>
    %dma_wait3A_238 = arith.constant 0 : i32
    %dma_wait3A_239 = tpu.memref_slice %arg2[%dma_wait3A, %dma_wait3A_238] : memref<32x100001xf32, #tpu.memory_space<hbm>> -> memref<1x128xf32, #tpu.memory_space<hbm>>
    %dma_wait3A_240 = tpu.memref_squeeze %dma_wait3A_239 : memref<1x128xf32, #tpu.memory_space<hbm>> -> memref<128xf32, #tpu.memory_space<hbm>>
    tpu.wait_dma2 semaphore(%arg16 : memref<!tpu.dma_semaphore, #tpu.memory_space<semaphore_mem>>) src(%dma_wait3A_240 : memref<128xf32, #tpu.memory_space<hbm>>) dst(%dma_wait3A_237 : memref<128xf32, #tpu.memory_space<vmem>>)
    %dma_wait3A_241 = arith.constant 0 : i32
    %dma_wait3A_242 = arith.constant 0 : i32
    %dma_wait3A_243 = tpu.memref_slice %arg10[%dma_wait3A_242] : memref<100096xf32, #tpu.memory_space<vmem>> -> memref<128xf32, #tpu.memory_space<vmem>>
    %dma_wait3A_244 = arith.constant 0 : i32
    %dma_wait3A_245 = tpu.memref_slice %arg2[%dma_wait3A_241, %dma_wait3A_244] : memref<32x100001xf32, #tpu.memory_space<hbm>> -> memref<1x128xf32, #tpu.memory_space<hbm>>
    %dma_wait3A_246 = tpu.memref_squeeze %dma_wait3A_245 : memref<1x128xf32, #tpu.memory_space<hbm>> -> memref<128xf32, #tpu.memory_space<hbm>>
    %dma_wait3A_247 = arith.constant 0 : i32
    %dma_wait3A_248 = tpu.memref_slice %arg10[%dma_wait3A_247] : memref<100096xf32, #tpu.memory_space<vmem>> -> memref<128xf32, #tpu.memory_space<vmem>>
    %dma_wait3A_249 = arith.constant 0 : i32
    %dma_wait3A_250 = tpu.memref_slice %arg2[%dma_wait3A_241, %dma_wait3A_249] : memref<32x100001xf32, #tpu.memory_space<hbm>> -> memref<1x128xf32, #tpu.memory_space<hbm>>
    %dma_wait3A_251 = tpu.memref_squeeze %dma_wait3A_250 : memref<1x128xf32, #tpu.memory_space<hbm>> -> memref<128xf32, #tpu.memory_space<hbm>>
    tpu.wait_dma2 semaphore(%arg16 : memref<!tpu.dma_semaphore, #tpu.memory_space<semaphore_mem>>) src(%dma_wait3A_251 : memref<128xf32, #tpu.memory_space<hbm>>) dst(%dma_wait3A_248 : memref<128xf32, #tpu.memory_space<vmem>>)
    %dma_wait3A_252 = arith.constant 0 : i32
    %dma_wait3A_253 = arith.constant 0 : i32
    %dma_wait3A_254 = tpu.memref_slice %arg10[%dma_wait3A_253] : memref<100096xf32, #tpu.memory_space<vmem>> -> memref<128xf32, #tpu.memory_space<vmem>>
    %dma_wait3A_255 = arith.constant 0 : i32
    %dma_wait3A_256 = tpu.memref_slice %arg2[%dma_wait3A_252, %dma_wait3A_255] : memref<32x100001xf32, #tpu.memory_space<hbm>> -> memref<1x128xf32, #tpu.memory_space<hbm>>
    %dma_wait3A_257 = tpu.memref_squeeze %dma_wait3A_256 : memref<1x128xf32, #tpu.memory_space<hbm>> -> memref<128xf32, #tpu.memory_space<hbm>>
    %dma_wait3A_258 = arith.constant 0 : i32
    %dma_wait3A_259 = tpu.memref_slice %arg10[%dma_wait3A_258] : memref<100096xf32, #tpu.memory_space<vmem>> -> memref<128xf32, #tpu.memory_space<vmem>>
    %dma_wait3A_260 = arith.constant 0 : i32
    %dma_wait3A_261 = tpu.memref_slice %arg2[%dma_wait3A_252, %dma_wait3A_260] : memref<32x100001xf32, #tpu.memory_space<hbm>> -> memref<1x128xf32, #tpu.memory_space<hbm>>
    %dma_wait3A_262 = tpu.memref_squeeze %dma_wait3A_261 : memref<1x128xf32, #tpu.memory_space<hbm>> -> memref<128xf32, #tpu.memory_space<hbm>>
    tpu.wait_dma2 semaphore(%arg16 : memref<!tpu.dma_semaphore, #tpu.memory_space<semaphore_mem>>) src(%dma_wait3A_262 : memref<128xf32, #tpu.memory_space<hbm>>) dst(%dma_wait3A_259 : memref<128xf32, #tpu.memory_space<vmem>>)
    %dma_wait3A_263 = arith.constant 0 : i32
    %dma_wait3A_264 = arith.constant 0 : i32
    %dma_wait3A_265 = tpu.memref_slice %arg10[%dma_wait3A_264] : memref<100096xf32, #tpu.memory_space<vmem>> -> memref<128xf32, #tpu.memory_space<vmem>>
    %dma_wait3A_266 = arith.constant 0 : i32
    %dma_wait3A_267 = tpu.memref_slice %arg2[%dma_wait3A_263, %dma_wait3A_266] : memref<32x100001xf32, #tpu.memory_space<hbm>> -> memref<1x128xf32, #tpu.memory_space<hbm>>
    %dma_wait3A_268 = tpu.memref_squeeze %dma_wait3A_267 : memref<1x128xf32, #tpu.memory_space<hbm>> -> memref<128xf32, #tpu.memory_space<hbm>>
    %dma_wait3A_269 = arith.constant 0 : i32
    %dma_wait3A_270 = tpu.memref_slice %arg10[%dma_wait3A_269] : memref<100096xf32, #tpu.memory_space<vmem>> -> memref<128xf32, #tpu.memory_space<vmem>>
    %dma_wait3A_271 = arith.constant 0 : i32
    %dma_wait3A_272 = tpu.memref_slice %arg2[%dma_wait3A_263, %dma_wait3A_271] : memref<32x100001xf32, #tpu.memory_space<hbm>> -> memref<1x128xf32, #tpu.memory_space<hbm>>
    %dma_wait3A_273 = tpu.memref_squeeze %dma_wait3A_272 : memref<1x128xf32, #tpu.memory_space<hbm>> -> memref<128xf32, #tpu.memory_space<hbm>>
    tpu.wait_dma2 semaphore(%arg16 : memref<!tpu.dma_semaphore, #tpu.memory_space<semaphore_mem>>) src(%dma_wait3A_273 : memref<128xf32, #tpu.memory_space<hbm>>) dst(%dma_wait3A_270 : memref<128xf32, #tpu.memory_space<vmem>>)
    %dma_wait3A_274 = arith.constant 0 : i32
    %dma_wait3A_275 = arith.constant 0 : i32
    %dma_wait3A_276 = tpu.memref_slice %arg10[%dma_wait3A_275] : memref<100096xf32, #tpu.memory_space<vmem>> -> memref<128xf32, #tpu.memory_space<vmem>>
    %dma_wait3A_277 = arith.constant 0 : i32
    %dma_wait3A_278 = tpu.memref_slice %arg2[%dma_wait3A_274, %dma_wait3A_277] : memref<32x100001xf32, #tpu.memory_space<hbm>> -> memref<1x128xf32, #tpu.memory_space<hbm>>
    %dma_wait3A_279 = tpu.memref_squeeze %dma_wait3A_278 : memref<1x128xf32, #tpu.memory_space<hbm>> -> memref<128xf32, #tpu.memory_space<hbm>>
    %dma_wait3A_280 = arith.constant 0 : i32
    %dma_wait3A_281 = tpu.memref_slice %arg10[%dma_wait3A_280] : memref<100096xf32, #tpu.memory_space<vmem>> -> memref<128xf32, #tpu.memory_space<vmem>>
    %dma_wait3A_282 = arith.constant 0 : i32
    %dma_wait3A_283 = tpu.memref_slice %arg2[%dma_wait3A_274, %dma_wait3A_282] : memref<32x100001xf32, #tpu.memory_space<hbm>> -> memref<1x128xf32, #tpu.memory_space<hbm>>
    %dma_wait3A_284 = tpu.memref_squeeze %dma_wait3A_283 : memref<1x128xf32, #tpu.memory_space<hbm>> -> memref<128xf32, #tpu.memory_space<hbm>>
    tpu.wait_dma2 semaphore(%arg16 : memref<!tpu.dma_semaphore, #tpu.memory_space<semaphore_mem>>) src(%dma_wait3A_284 : memref<128xf32, #tpu.memory_space<hbm>>) dst(%dma_wait3A_281 : memref<128xf32, #tpu.memory_space<vmem>>)
    %dma_wait3A_285 = arith.constant 0 : i32
    %dma_wait3A_286 = arith.constant 0 : i32
    %dma_wait3A_287 = tpu.memref_slice %arg10[%dma_wait3A_286] : memref<100096xf32, #tpu.memory_space<vmem>> -> memref<128xf32, #tpu.memory_space<vmem>>
    %dma_wait3A_288 = arith.constant 0 : i32
    %dma_wait3A_289 = tpu.memref_slice %arg2[%dma_wait3A_285, %dma_wait3A_288] : memref<32x100001xf32, #tpu.memory_space<hbm>> -> memref<1x128xf32, #tpu.memory_space<hbm>>
    %dma_wait3A_290 = tpu.memref_squeeze %dma_wait3A_289 : memref<1x128xf32, #tpu.memory_space<hbm>> -> memref<128xf32, #tpu.memory_space<hbm>>
    %dma_wait3A_291 = arith.constant 0 : i32
    %dma_wait3A_292 = tpu.memref_slice %arg10[%dma_wait3A_291] : memref<100096xf32, #tpu.memory_space<vmem>> -> memref<128xf32, #tpu.memory_space<vmem>>
    %dma_wait3A_293 = arith.constant 0 : i32
    %dma_wait3A_294 = tpu.memref_slice %arg2[%dma_wait3A_285, %dma_wait3A_293] : memref<32x100001xf32, #tpu.memory_space<hbm>> -> memref<1x128xf32, #tpu.memory_space<hbm>>
    %dma_wait3A_295 = tpu.memref_squeeze %dma_wait3A_294 : memref<1x128xf32, #tpu.memory_space<hbm>> -> memref<128xf32, #tpu.memory_space<hbm>>
    tpu.wait_dma2 semaphore(%arg16 : memref<!tpu.dma_semaphore, #tpu.memory_space<semaphore_mem>>) src(%dma_wait3A_295 : memref<128xf32, #tpu.memory_space<hbm>>) dst(%dma_wait3A_292 : memref<128xf32, #tpu.memory_space<vmem>>)
    %dma_wait3A_296 = arith.constant 0 : i32
    %dma_wait3A_297 = arith.constant 0 : i32
    %dma_wait3A_298 = tpu.memref_slice %arg10[%dma_wait3A_297] : memref<100096xf32, #tpu.memory_space<vmem>> -> memref<128xf32, #tpu.memory_space<vmem>>
    %dma_wait3A_299 = arith.constant 0 : i32
    %dma_wait3A_300 = tpu.memref_slice %arg2[%dma_wait3A_296, %dma_wait3A_299] : memref<32x100001xf32, #tpu.memory_space<hbm>> -> memref<1x128xf32, #tpu.memory_space<hbm>>
    %dma_wait3A_301 = tpu.memref_squeeze %dma_wait3A_300 : memref<1x128xf32, #tpu.memory_space<hbm>> -> memref<128xf32, #tpu.memory_space<hbm>>
    %dma_wait3A_302 = arith.constant 0 : i32
    %dma_wait3A_303 = tpu.memref_slice %arg10[%dma_wait3A_302] : memref<100096xf32, #tpu.memory_space<vmem>> -> memref<128xf32, #tpu.memory_space<vmem>>
    %dma_wait3A_304 = arith.constant 0 : i32
    %dma_wait3A_305 = tpu.memref_slice %arg2[%dma_wait3A_296, %dma_wait3A_304] : memref<32x100001xf32, #tpu.memory_space<hbm>> -> memref<1x128xf32, #tpu.memory_space<hbm>>
    %dma_wait3A_306 = tpu.memref_squeeze %dma_wait3A_305 : memref<1x128xf32, #tpu.memory_space<hbm>> -> memref<128xf32, #tpu.memory_space<hbm>>
    tpu.wait_dma2 semaphore(%arg16 : memref<!tpu.dma_semaphore, #tpu.memory_space<semaphore_mem>>) src(%dma_wait3A_306 : memref<128xf32, #tpu.memory_space<hbm>>) dst(%dma_wait3A_303 : memref<128xf32, #tpu.memory_space<vmem>>)
    %dma_wait3A_307 = arith.constant 0 : i32
    %dma_wait3A_308 = arith.constant 0 : i32
    %dma_wait3A_309 = tpu.memref_slice %arg10[%dma_wait3A_308] : memref<100096xf32, #tpu.memory_space<vmem>> -> memref<128xf32, #tpu.memory_space<vmem>>
    %dma_wait3A_310 = arith.constant 0 : i32
    %dma_wait3A_311 = tpu.memref_slice %arg2[%dma_wait3A_307, %dma_wait3A_310] : memref<32x100001xf32, #tpu.memory_space<hbm>> -> memref<1x128xf32, #tpu.memory_space<hbm>>
    %dma_wait3A_312 = tpu.memref_squeeze %dma_wait3A_311 : memref<1x128xf32, #tpu.memory_space<hbm>> -> memref<128xf32, #tpu.memory_space<hbm>>
    %dma_wait3A_313 = arith.constant 0 : i32
    %dma_wait3A_314 = tpu.memref_slice %arg10[%dma_wait3A_313] : memref<100096xf32, #tpu.memory_space<vmem>> -> memref<128xf32, #tpu.memory_space<vmem>>
    %dma_wait3A_315 = arith.constant 0 : i32
    %dma_wait3A_316 = tpu.memref_slice %arg2[%dma_wait3A_307, %dma_wait3A_315] : memref<32x100001xf32, #tpu.memory_space<hbm>> -> memref<1x128xf32, #tpu.memory_space<hbm>>
    %dma_wait3A_317 = tpu.memref_squeeze %dma_wait3A_316 : memref<1x128xf32, #tpu.memory_space<hbm>> -> memref<128xf32, #tpu.memory_space<hbm>>
    tpu.wait_dma2 semaphore(%arg16 : memref<!tpu.dma_semaphore, #tpu.memory_space<semaphore_mem>>) src(%dma_wait3A_317 : memref<128xf32, #tpu.memory_space<hbm>>) dst(%dma_wait3A_314 : memref<128xf32, #tpu.memory_space<vmem>>)
    %dma_wait3A_318 = arith.constant 0 : i32
    %dma_wait3A_319 = arith.constant 0 : i32
    %dma_wait3A_320 = tpu.memref_slice %arg10[%dma_wait3A_319] : memref<100096xf32, #tpu.memory_space<vmem>> -> memref<128xf32, #tpu.memory_space<vmem>>
    %dma_wait3A_321 = arith.constant 0 : i32
    %dma_wait3A_322 = tpu.memref_slice %arg2[%dma_wait3A_318, %dma_wait3A_321] : memref<32x100001xf32, #tpu.memory_space<hbm>> -> memref<1x128xf32, #tpu.memory_space<hbm>>
    %dma_wait3A_323 = tpu.memref_squeeze %dma_wait3A_322 : memref<1x128xf32, #tpu.memory_space<hbm>> -> memref<128xf32, #tpu.memory_space<hbm>>
    %dma_wait3A_324 = arith.constant 0 : i32
    %dma_wait3A_325 = tpu.memref_slice %arg10[%dma_wait3A_324] : memref<100096xf32, #tpu.memory_space<vmem>> -> memref<128xf32, #tpu.memory_space<vmem>>
    %dma_wait3A_326 = arith.constant 0 : i32
    %dma_wait3A_327 = tpu.memref_slice %arg2[%dma_wait3A_318, %dma_wait3A_326] : memref<32x100001xf32, #tpu.memory_space<hbm>> -> memref<1x128xf32, #tpu.memory_space<hbm>>
    %dma_wait3A_328 = tpu.memref_squeeze %dma_wait3A_327 : memref<1x128xf32, #tpu.memory_space<hbm>> -> memref<128xf32, #tpu.memory_space<hbm>>
    tpu.wait_dma2 semaphore(%arg16 : memref<!tpu.dma_semaphore, #tpu.memory_space<semaphore_mem>>) src(%dma_wait3A_328 : memref<128xf32, #tpu.memory_space<hbm>>) dst(%dma_wait3A_325 : memref<128xf32, #tpu.memory_space<vmem>>)
    %dma_wait3A_329 = arith.constant 0 : i32
    %dma_wait3A_330 = arith.constant 0 : i32
    %dma_wait3A_331 = tpu.memref_slice %arg10[%dma_wait3A_330] : memref<100096xf32, #tpu.memory_space<vmem>> -> memref<128xf32, #tpu.memory_space<vmem>>
    %dma_wait3A_332 = arith.constant 0 : i32
    %dma_wait3A_333 = tpu.memref_slice %arg2[%dma_wait3A_329, %dma_wait3A_332] : memref<32x100001xf32, #tpu.memory_space<hbm>> -> memref<1x128xf32, #tpu.memory_space<hbm>>
    %dma_wait3A_334 = tpu.memref_squeeze %dma_wait3A_333 : memref<1x128xf32, #tpu.memory_space<hbm>> -> memref<128xf32, #tpu.memory_space<hbm>>
    %dma_wait3A_335 = arith.constant 0 : i32
    %dma_wait3A_336 = tpu.memref_slice %arg10[%dma_wait3A_335] : memref<100096xf32, #tpu.memory_space<vmem>> -> memref<128xf32, #tpu.memory_space<vmem>>
    %dma_wait3A_337 = arith.constant 0 : i32
    %dma_wait3A_338 = tpu.memref_slice %arg2[%dma_wait3A_329, %dma_wait3A_337] : memref<32x100001xf32, #tpu.memory_space<hbm>> -> memref<1x128xf32, #tpu.memory_space<hbm>>
    %dma_wait3A_339 = tpu.memref_squeeze %dma_wait3A_338 : memref<1x128xf32, #tpu.memory_space<hbm>> -> memref<128xf32, #tpu.memory_space<hbm>>
    tpu.wait_dma2 semaphore(%arg16 : memref<!tpu.dma_semaphore, #tpu.memory_space<semaphore_mem>>) src(%dma_wait3A_339 : memref<128xf32, #tpu.memory_space<hbm>>) dst(%dma_wait3A_336 : memref<128xf32, #tpu.memory_space<vmem>>)
    %dma_wait3A_340 = arith.constant 0 : i32
    %dma_wait3A_341 = arith.constant 0 : i32
    %dma_wait3A_342 = tpu.memref_slice %arg10[%dma_wait3A_341] : memref<100096xf32, #tpu.memory_space<vmem>> -> memref<128xf32, #tpu.memory_space<vmem>>
    %dma_wait3A_343 = arith.constant 0 : i32
    %dma_wait3A_344 = tpu.memref_slice %arg2[%dma_wait3A_340, %dma_wait3A_343] : memref<32x100001xf32, #tpu.memory_space<hbm>> -> memref<1x128xf32, #tpu.memory_space<hbm>>
    %dma_wait3A_345 = tpu.memref_squeeze %dma_wait3A_344 : memref<1x128xf32, #tpu.memory_space<hbm>> -> memref<128xf32, #tpu.memory_space<hbm>>
    %dma_wait3A_346 = arith.constant 0 : i32
    %dma_wait3A_347 = tpu.memref_slice %arg10[%dma_wait3A_346] : memref<100096xf32, #tpu.memory_space<vmem>> -> memref<128xf32, #tpu.memory_space<vmem>>
    %dma_wait3A_348 = arith.constant 0 : i32
    %dma_wait3A_349 = tpu.memref_slice %arg2[%dma_wait3A_340, %dma_wait3A_348] : memref<32x100001xf32, #tpu.memory_space<hbm>> -> memref<1x128xf32, #tpu.memory_space<hbm>>
    %dma_wait3A_350 = tpu.memref_squeeze %dma_wait3A_349 : memref<1x128xf32, #tpu.memory_space<hbm>> -> memref<128xf32, #tpu.memory_space<hbm>>
    tpu.wait_dma2 semaphore(%arg16 : memref<!tpu.dma_semaphore, #tpu.memory_space<semaphore_mem>>) src(%dma_wait3A_350 : memref<128xf32, #tpu.memory_space<hbm>>) dst(%dma_wait3A_347 : memref<128xf32, #tpu.memory_space<vmem>>)
    %dma_wait3A_351 = arith.constant 0 : i32
    %dma_wait3A_352 = arith.constant 0 : i32
    %dma_wait3A_353 = tpu.memref_slice %arg10[%dma_wait3A_352] : memref<100096xf32, #tpu.memory_space<vmem>> -> memref<128xf32, #tpu.memory_space<vmem>>
    %dma_wait3A_354 = arith.constant 0 : i32
    %dma_wait3A_355 = tpu.memref_slice %arg2[%dma_wait3A_351, %dma_wait3A_354] : memref<32x100001xf32, #tpu.memory_space<hbm>> -> memref<1x128xf32, #tpu.memory_space<hbm>>
    %dma_wait3A_356 = tpu.memref_squeeze %dma_wait3A_355 : memref<1x128xf32, #tpu.memory_space<hbm>> -> memref<128xf32, #tpu.memory_space<hbm>>
    %dma_wait3A_357 = arith.constant 0 : i32
    %dma_wait3A_358 = tpu.memref_slice %arg10[%dma_wait3A_357] : memref<100096xf32, #tpu.memory_space<vmem>> -> memref<128xf32, #tpu.memory_space<vmem>>
    %dma_wait3A_359 = arith.constant 0 : i32
    %dma_wait3A_360 = tpu.memref_slice %arg2[%dma_wait3A_351, %dma_wait3A_359] : memref<32x100001xf32, #tpu.memory_space<hbm>> -> memref<1x128xf32, #tpu.memory_space<hbm>>
    %dma_wait3A_361 = tpu.memref_squeeze %dma_wait3A_360 : memref<1x128xf32, #tpu.memory_space<hbm>> -> memref<128xf32, #tpu.memory_space<hbm>>
    tpu.wait_dma2 semaphore(%arg16 : memref<!tpu.dma_semaphore, #tpu.memory_space<semaphore_mem>>) src(%dma_wait3A_361 : memref<128xf32, #tpu.memory_space<hbm>>) dst(%dma_wait3A_358 : memref<128xf32, #tpu.memory_space<vmem>>)
    %dma_wait3A_362 = arith.constant 0 : i32
    %dma_wait3A_363 = arith.constant 0 : i32
    %dma_wait3A_364 = tpu.memref_slice %arg10[%dma_wait3A_363] : memref<100096xf32, #tpu.memory_space<vmem>> -> memref<128xf32, #tpu.memory_space<vmem>>
    %dma_wait3A_365 = arith.constant 0 : i32
    %dma_wait3A_366 = tpu.memref_slice %arg2[%dma_wait3A_362, %dma_wait3A_365] : memref<32x100001xf32, #tpu.memory_space<hbm>> -> memref<1x128xf32, #tpu.memory_space<hbm>>
    %dma_wait3A_367 = tpu.memref_squeeze %dma_wait3A_366 : memref<1x128xf32, #tpu.memory_space<hbm>> -> memref<128xf32, #tpu.memory_space<hbm>>
    %dma_wait3A_368 = arith.constant 0 : i32
    %dma_wait3A_369 = tpu.memref_slice %arg10[%dma_wait3A_368] : memref<100096xf32, #tpu.memory_space<vmem>> -> memref<128xf32, #tpu.memory_space<vmem>>
    %dma_wait3A_370 = arith.constant 0 : i32
    %dma_wait3A_371 = tpu.memref_slice %arg2[%dma_wait3A_362, %dma_wait3A_370] : memref<32x100001xf32, #tpu.memory_space<hbm>> -> memref<1x128xf32, #tpu.memory_space<hbm>>
    %dma_wait3A_372 = tpu.memref_squeeze %dma_wait3A_371 : memref<1x128xf32, #tpu.memory_space<hbm>> -> memref<128xf32, #tpu.memory_space<hbm>>
    tpu.wait_dma2 semaphore(%arg16 : memref<!tpu.dma_semaphore, #tpu.memory_space<semaphore_mem>>) src(%dma_wait3A_372 : memref<128xf32, #tpu.memory_space<hbm>>) dst(%dma_wait3A_369 : memref<128xf32, #tpu.memory_space<vmem>>)
    %dma_wait3A_373 = arith.constant 0 : i32
    %dma_wait3A_374 = arith.constant 99968 : i32
    %dma_wait3A_375 = tpu.memref_slice %arg10[%dma_wait3A_374] : memref<100096xf32, #tpu.memory_space<vmem>> -> memref<128xf32, #tpu.memory_space<vmem>>
    %dma_wait3A_376 = arith.constant 0 : i32
    %dma_wait3A_377 = tpu.memref_slice %arg6[%dma_wait3A_373, %dma_wait3A_376] : memref<32x128xf32, #tpu.memory_space<hbm>> -> memref<1x128xf32, #tpu.memory_space<hbm>>
    %dma_wait3A_378 = tpu.memref_squeeze %dma_wait3A_377 : memref<1x128xf32, #tpu.memory_space<hbm>> -> memref<128xf32, #tpu.memory_space<hbm>>
    %dma_wait3A_379 = arith.constant 99968 : i32
    %dma_wait3A_380 = tpu.memref_slice %arg10[%dma_wait3A_379] : memref<100096xf32, #tpu.memory_space<vmem>> -> memref<128xf32, #tpu.memory_space<vmem>>
    %dma_wait3A_381 = arith.constant 0 : i32
    %dma_wait3A_382 = tpu.memref_slice %arg6[%dma_wait3A_373, %dma_wait3A_381] : memref<32x128xf32, #tpu.memory_space<hbm>> -> memref<1x128xf32, #tpu.memory_space<hbm>>
    %dma_wait3A_383 = tpu.memref_squeeze %dma_wait3A_382 : memref<1x128xf32, #tpu.memory_space<hbm>> -> memref<128xf32, #tpu.memory_space<hbm>>
    tpu.wait_dma2 semaphore(%arg16 : memref<!tpu.dma_semaphore, #tpu.memory_space<semaphore_mem>>) src(%dma_wait3A_383 : memref<128xf32, #tpu.memory_space<hbm>>) dst(%dma_wait3A_380 : memref<128xf32, #tpu.memory_space<vmem>>)
    %dma_wait3A_384 = arith.constant 0 : i32
    %dma_wait3A_385 = arith.constant 0 : i32
    %dma_wait3A_386 = tpu.memref_slice %arg11[%dma_wait3A_385] : memref<1024xf32, #tpu.memory_space<vmem>> -> memref<128xf32, #tpu.memory_space<vmem>>
    %dma_wait3A_387 = arith.constant 0 : i32
    %dma_wait3A_388 = tpu.memref_slice %arg4[%dma_wait3A_384, %dma_wait3A_387] : memref<32x1001xf32, #tpu.memory_space<hbm>> -> memref<1x128xf32, #tpu.memory_space<hbm>>
    %dma_wait3A_389 = tpu.memref_squeeze %dma_wait3A_388 : memref<1x128xf32, #tpu.memory_space<hbm>> -> memref<128xf32, #tpu.memory_space<hbm>>
    %dma_wait3A_390 = arith.constant 0 : i32
    %dma_wait3A_391 = tpu.memref_slice %arg11[%dma_wait3A_390] : memref<1024xf32, #tpu.memory_space<vmem>> -> memref<128xf32, #tpu.memory_space<vmem>>
    %dma_wait3A_392 = arith.constant 0 : i32
    %dma_wait3A_393 = tpu.memref_slice %arg4[%dma_wait3A_384, %dma_wait3A_392] : memref<32x1001xf32, #tpu.memory_space<hbm>> -> memref<1x128xf32, #tpu.memory_space<hbm>>
    %dma_wait3A_394 = tpu.memref_squeeze %dma_wait3A_393 : memref<1x128xf32, #tpu.memory_space<hbm>> -> memref<128xf32, #tpu.memory_space<hbm>>
    tpu.wait_dma2 semaphore(%arg16 : memref<!tpu.dma_semaphore, #tpu.memory_space<semaphore_mem>>) src(%dma_wait3A_394 : memref<128xf32, #tpu.memory_space<hbm>>) dst(%dma_wait3A_391 : memref<128xf32, #tpu.memory_space<vmem>>)
    %dma_wait3A_395 = arith.constant 0 : i32
    %dma_wait3A_396 = arith.constant 0 : i32
    %dma_wait3A_397 = tpu.memref_slice %arg11[%dma_wait3A_396] : memref<1024xf32, #tpu.memory_space<vmem>> -> memref<128xf32, #tpu.memory_space<vmem>>
    %dma_wait3A_398 = arith.constant 0 : i32
    %dma_wait3A_399 = tpu.memref_slice %arg4[%dma_wait3A_395, %dma_wait3A_398] : memref<32x1001xf32, #tpu.memory_space<hbm>> -> memref<1x128xf32, #tpu.memory_space<hbm>>
    %dma_wait3A_400 = tpu.memref_squeeze %dma_wait3A_399 : memref<1x128xf32, #tpu.memory_space<hbm>> -> memref<128xf32, #tpu.memory_space<hbm>>
    %dma_wait3A_401 = arith.constant 0 : i32
    %dma_wait3A_402 = tpu.memref_slice %arg11[%dma_wait3A_401] : memref<1024xf32, #tpu.memory_space<vmem>> -> memref<128xf32, #tpu.memory_space<vmem>>
    %dma_wait3A_403 = arith.constant 0 : i32
    %dma_wait3A_404 = tpu.memref_slice %arg4[%dma_wait3A_395, %dma_wait3A_403] : memref<32x1001xf32, #tpu.memory_space<hbm>> -> memref<1x128xf32, #tpu.memory_space<hbm>>
    %dma_wait3A_405 = tpu.memref_squeeze %dma_wait3A_404 : memref<1x128xf32, #tpu.memory_space<hbm>> -> memref<128xf32, #tpu.memory_space<hbm>>
    tpu.wait_dma2 semaphore(%arg16 : memref<!tpu.dma_semaphore, #tpu.memory_space<semaphore_mem>>) src(%dma_wait3A_405 : memref<128xf32, #tpu.memory_space<hbm>>) dst(%dma_wait3A_402 : memref<128xf32, #tpu.memory_space<vmem>>)
    %dma_wait3A_406 = arith.constant 0 : i32
    %dma_wait3A_407 = arith.constant 0 : i32
    %dma_wait3A_408 = tpu.memref_slice %arg11[%dma_wait3A_407] : memref<1024xf32, #tpu.memory_space<vmem>> -> memref<128xf32, #tpu.memory_space<vmem>>
    %dma_wait3A_409 = arith.constant 0 : i32
    %dma_wait3A_410 = tpu.memref_slice %arg4[%dma_wait3A_406, %dma_wait3A_409] : memref<32x1001xf32, #tpu.memory_space<hbm>> -> memref<1x128xf32, #tpu.memory_space<hbm>>
    %dma_wait3A_411 = tpu.memref_squeeze %dma_wait3A_410 : memref<1x128xf32, #tpu.memory_space<hbm>> -> memref<128xf32, #tpu.memory_space<hbm>>
    %dma_wait3A_412 = arith.constant 0 : i32
    %dma_wait3A_413 = tpu.memref_slice %arg11[%dma_wait3A_412] : memref<1024xf32, #tpu.memory_space<vmem>> -> memref<128xf32, #tpu.memory_space<vmem>>
    %dma_wait3A_414 = arith.constant 0 : i32
    %dma_wait3A_415 = tpu.memref_slice %arg4[%dma_wait3A_406, %dma_wait3A_414] : memref<32x1001xf32, #tpu.memory_space<hbm>> -> memref<1x128xf32, #tpu.memory_space<hbm>>
    %dma_wait3A_416 = tpu.memref_squeeze %dma_wait3A_415 : memref<1x128xf32, #tpu.memory_space<hbm>> -> memref<128xf32, #tpu.memory_space<hbm>>
    tpu.wait_dma2 semaphore(%arg16 : memref<!tpu.dma_semaphore, #tpu.memory_space<semaphore_mem>>) src(%dma_wait3A_416 : memref<128xf32, #tpu.memory_space<hbm>>) dst(%dma_wait3A_413 : memref<128xf32, #tpu.memory_space<vmem>>)
    %dma_wait3A_417 = arith.constant 0 : i32
    %dma_wait3A_418 = arith.constant 0 : i32
    %dma_wait3A_419 = tpu.memref_slice %arg11[%dma_wait3A_418] : memref<1024xf32, #tpu.memory_space<vmem>> -> memref<128xf32, #tpu.memory_space<vmem>>
    %dma_wait3A_420 = arith.constant 0 : i32
    %dma_wait3A_421 = tpu.memref_slice %arg4[%dma_wait3A_417, %dma_wait3A_420] : memref<32x1001xf32, #tpu.memory_space<hbm>> -> memref<1x128xf32, #tpu.memory_space<hbm>>
    %dma_wait3A_422 = tpu.memref_squeeze %dma_wait3A_421 : memref<1x128xf32, #tpu.memory_space<hbm>> -> memref<128xf32, #tpu.memory_space<hbm>>
    %dma_wait3A_423 = arith.constant 0 : i32
    %dma_wait3A_424 = tpu.memref_slice %arg11[%dma_wait3A_423] : memref<1024xf32, #tpu.memory_space<vmem>> -> memref<128xf32, #tpu.memory_space<vmem>>
    %dma_wait3A_425 = arith.constant 0 : i32
    %dma_wait3A_426 = tpu.memref_slice %arg4[%dma_wait3A_417, %dma_wait3A_425] : memref<32x1001xf32, #tpu.memory_space<hbm>> -> memref<1x128xf32, #tpu.memory_space<hbm>>
    %dma_wait3A_427 = tpu.memref_squeeze %dma_wait3A_426 : memref<1x128xf32, #tpu.memory_space<hbm>> -> memref<128xf32, #tpu.memory_space<hbm>>
    tpu.wait_dma2 semaphore(%arg16 : memref<!tpu.dma_semaphore, #tpu.memory_space<semaphore_mem>>) src(%dma_wait3A_427 : memref<128xf32, #tpu.memory_space<hbm>>) dst(%dma_wait3A_424 : memref<128xf32, #tpu.memory_space<vmem>>)
    %dma_wait3A_428 = arith.constant 0 : i32
    %dma_wait3A_429 = arith.constant 0 : i32
    %dma_wait3A_430 = tpu.memref_slice %arg11[%dma_wait3A_429] : memref<1024xf32, #tpu.memory_space<vmem>> -> memref<128xf32, #tpu.memory_space<vmem>>
    %dma_wait3A_431 = arith.constant 0 : i32
    %dma_wait3A_432 = tpu.memref_slice %arg4[%dma_wait3A_428, %dma_wait3A_431] : memref<32x1001xf32, #tpu.memory_space<hbm>> -> memref<1x128xf32, #tpu.memory_space<hbm>>
    %dma_wait3A_433 = tpu.memref_squeeze %dma_wait3A_432 : memref<1x128xf32, #tpu.memory_space<hbm>> -> memref<128xf32, #tpu.memory_space<hbm>>
    %dma_wait3A_434 = arith.constant 0 : i32
    %dma_wait3A_435 = tpu.memref_slice %arg11[%dma_wait3A_434] : memref<1024xf32, #tpu.memory_space<vmem>> -> memref<128xf32, #tpu.memory_space<vmem>>
    %dma_wait3A_436 = arith.constant 0 : i32
    %dma_wait3A_437 = tpu.memref_slice %arg4[%dma_wait3A_428, %dma_wait3A_436] : memref<32x1001xf32, #tpu.memory_space<hbm>> -> memref<1x128xf32, #tpu.memory_space<hbm>>
    %dma_wait3A_438 = tpu.memref_squeeze %dma_wait3A_437 : memref<1x128xf32, #tpu.memory_space<hbm>> -> memref<128xf32, #tpu.memory_space<hbm>>
    tpu.wait_dma2 semaphore(%arg16 : memref<!tpu.dma_semaphore, #tpu.memory_space<semaphore_mem>>) src(%dma_wait3A_438 : memref<128xf32, #tpu.memory_space<hbm>>) dst(%dma_wait3A_435 : memref<128xf32, #tpu.memory_space<vmem>>)
    %dma_wait3A_439 = arith.constant 0 : i32
    %dma_wait3A_440 = arith.constant 0 : i32
    %dma_wait3A_441 = tpu.memref_slice %arg11[%dma_wait3A_440] : memref<1024xf32, #tpu.memory_space<vmem>> -> memref<128xf32, #tpu.memory_space<vmem>>
    %dma_wait3A_442 = arith.constant 0 : i32
    %dma_wait3A_443 = tpu.memref_slice %arg4[%dma_wait3A_439, %dma_wait3A_442] : memref<32x1001xf32, #tpu.memory_space<hbm>> -> memref<1x128xf32, #tpu.memory_space<hbm>>
    %dma_wait3A_444 = tpu.memref_squeeze %dma_wait3A_443 : memref<1x128xf32, #tpu.memory_space<hbm>> -> memref<128xf32, #tpu.memory_space<hbm>>
    %dma_wait3A_445 = arith.constant 0 : i32
    %dma_wait3A_446 = tpu.memref_slice %arg11[%dma_wait3A_445] : memref<1024xf32, #tpu.memory_space<vmem>> -> memref<128xf32, #tpu.memory_space<vmem>>
    %dma_wait3A_447 = arith.constant 0 : i32
    %dma_wait3A_448 = tpu.memref_slice %arg4[%dma_wait3A_439, %dma_wait3A_447] : memref<32x1001xf32, #tpu.memory_space<hbm>> -> memref<1x128xf32, #tpu.memory_space<hbm>>
    %dma_wait3A_449 = tpu.memref_squeeze %dma_wait3A_448 : memref<1x128xf32, #tpu.memory_space<hbm>> -> memref<128xf32, #tpu.memory_space<hbm>>
    tpu.wait_dma2 semaphore(%arg16 : memref<!tpu.dma_semaphore, #tpu.memory_space<semaphore_mem>>) src(%dma_wait3A_449 : memref<128xf32, #tpu.memory_space<hbm>>) dst(%dma_wait3A_446 : memref<128xf32, #tpu.memory_space<vmem>>)
    %dma_wait3A_450 = arith.constant 0 : i32
    %dma_wait3A_451 = arith.constant 0 : i32
    %dma_wait3A_452 = tpu.memref_slice %arg11[%dma_wait3A_451] : memref<1024xf32, #tpu.memory_space<vmem>> -> memref<128xf32, #tpu.memory_space<vmem>>
    %dma_wait3A_453 = arith.constant 0 : i32
    %dma_wait3A_454 = tpu.memref_slice %arg4[%dma_wait3A_450, %dma_wait3A_453] : memref<32x1001xf32, #tpu.memory_space<hbm>> -> memref<1x128xf32, #tpu.memory_space<hbm>>
    %dma_wait3A_455 = tpu.memref_squeeze %dma_wait3A_454 : memref<1x128xf32, #tpu.memory_space<hbm>> -> memref<128xf32, #tpu.memory_space<hbm>>
    %dma_wait3A_456 = arith.constant 0 : i32
    %dma_wait3A_457 = tpu.memref_slice %arg11[%dma_wait3A_456] : memref<1024xf32, #tpu.memory_space<vmem>> -> memref<128xf32, #tpu.memory_space<vmem>>
    %dma_wait3A_458 = arith.constant 0 : i32
    %dma_wait3A_459 = tpu.memref_slice %arg4[%dma_wait3A_450, %dma_wait3A_458] : memref<32x1001xf32, #tpu.memory_space<hbm>> -> memref<1x128xf32, #tpu.memory_space<hbm>>
    %dma_wait3A_460 = tpu.memref_squeeze %dma_wait3A_459 : memref<1x128xf32, #tpu.memory_space<hbm>> -> memref<128xf32, #tpu.memory_space<hbm>>
    tpu.wait_dma2 semaphore(%arg16 : memref<!tpu.dma_semaphore, #tpu.memory_space<semaphore_mem>>) src(%dma_wait3A_460 : memref<128xf32, #tpu.memory_space<hbm>>) dst(%dma_wait3A_457 : memref<128xf32, #tpu.memory_space<vmem>>)
    %dma_wait3A_461 = arith.constant 0 : i32
    %dma_wait3A_462 = arith.constant 896 : i32
    %dma_wait3A_463 = tpu.memref_slice %arg11[%dma_wait3A_462] : memref<1024xf32, #tpu.memory_space<vmem>> -> memref<128xf32, #tpu.memory_space<vmem>>
    %dma_wait3A_464 = arith.constant 0 : i32
    %dma_wait3A_465 = tpu.memref_slice %arg7[%dma_wait3A_461, %dma_wait3A_464] : memref<32x128xf32, #tpu.memory_space<hbm>> -> memref<1x128xf32, #tpu.memory_space<hbm>>
    %dma_wait3A_466 = tpu.memref_squeeze %dma_wait3A_465 : memref<1x128xf32, #tpu.memory_space<hbm>> -> memref<128xf32, #tpu.memory_space<hbm>>
    %dma_wait3A_467 = arith.constant 896 : i32
    %dma_wait3A_468 = tpu.memref_slice %arg11[%dma_wait3A_467] : memref<1024xf32, #tpu.memory_space<vmem>> -> memref<128xf32, #tpu.memory_space<vmem>>
    %dma_wait3A_469 = arith.constant 0 : i32
    %dma_wait3A_470 = tpu.memref_slice %arg7[%dma_wait3A_461, %dma_wait3A_469] : memref<32x128xf32, #tpu.memory_space<hbm>> -> memref<1x128xf32, #tpu.memory_space<hbm>>
    %dma_wait3A_471 = tpu.memref_squeeze %dma_wait3A_470 : memref<1x128xf32, #tpu.memory_space<hbm>> -> memref<128xf32, #tpu.memory_space<hbm>>
    tpu.wait_dma2 semaphore(%arg16 : memref<!tpu.dma_semaphore, #tpu.memory_space<semaphore_mem>>) src(%dma_wait3A_471 : memref<128xf32, #tpu.memory_space<hbm>>) dst(%dma_wait3A_468 : memref<128xf32, #tpu.memory_space<vmem>>)
    %scan3A_472 = arith.constant 0 : i32
    %scan3A_473 = arith.constant 0 : i32
    %scan3A_474 = arith.constant 64 : i32
    %scan3A_475 = arith.addi %scan3A_473, %scan3A_474 : i32
    %scan3A_476 = arith.constant 1 : i32
    scf.for %scan3A_478 = %scan3A_473 to %scan3A_475 step %scan3A_476  : i32 {
      %mul3A_479 = arith.constant 4 : i32
      %mul3A_480 = arith.muli %scan3A_478, %mul3A_479 : i32
      %add3A_481 = arith.constant 0 : i32
      %add3A_482 = arith.addi %mul3A_480, %add3A_481 : i32
      %mul3A_483 = arith.constant 16 : i32
      %mul3A_484 = arith.muli %add3A_482, %mul3A_483 : i32
      %get3A = arith.index_cast %mul3A_484 : i32 to index
      %get3A_485 = tpu.vector_load %arg12[%get3A] {strides = array<i32>} : memref<4096xi32, #tpu.memory_space<vmem>>, vector<16xi32>,
      %gather3A = tpu.vector_load_idx %arg10[%get3A_485] : memref<100096xf32, #tpu.memory_space<vmem>>[vector<16xi32>], vector<16xf32>,
      %swap3A = arith.index_cast %mul3A_484 : i32 to index
      %swap3A_486 = tpu.vector_load %arg14[%swap3A] {strides = array<i32>} : memref<4096xf32, #tpu.memory_space<vmem>>, vector<16xf32>,
      tpu.vector_store %arg14[%swap3A], %gather3A {strides = array<i32>} : memref<4096xf32, #tpu.memory_space<vmem>>, vector<16xf32>,
      %get3A_487 = arith.index_cast %mul3A_484 : i32 to index
      %get3A_488 = tpu.vector_load %arg13[%get3A_487] {strides = array<i32>} : memref<4096xi32, #tpu.memory_space<vmem>>, vector<16xi32>,
      %gather3A_489 = tpu.vector_load_idx %arg11[%get3A_488] : memref<1024xf32, #tpu.memory_space<vmem>>[vector<16xi32>], vector<16xf32>,
      %swap3A_490 = arith.index_cast %mul3A_484 : i32 to index
      %swap3A_491 = tpu.vector_load %arg15[%swap3A_490] {strides = array<i32>} : memref<4096xf32, #tpu.memory_space<vmem>>, vector<16xf32>,
      tpu.vector_store %arg15[%swap3A_490], %gather3A_489 {strides = array<i32>} : memref<4096xf32, #tpu.memory_space<vmem>>, vector<16xf32>,
      %mul3A_492 = arith.constant 4 : i32
      %mul3A_493 = arith.muli %scan3A_478, %mul3A_492 : i32
      %add3A_494 = arith.constant 1 : i32
      %add3A_495 = arith.addi %mul3A_493, %add3A_494 : i32
      %mul3A_496 = arith.constant 16 : i32
      %mul3A_497 = arith.muli %add3A_495, %mul3A_496 : i32
      %get3A_498 = arith.index_cast %mul3A_497 : i32 to index
      %get3A_499 = tpu.vector_load %arg12[%get3A_498] {strides = array<i32>} : memref<4096xi32, #tpu.memory_space<vmem>>, vector<16xi32>,
      %gather3A_500 = tpu.vector_load_idx %arg10[%get3A_499] : memref<100096xf32, #tpu.memory_space<vmem>>[vector<16xi32>], vector<16xf32>,
      %swap3A_501 = arith.index_cast %mul3A_497 : i32 to index
      %swap3A_502 = tpu.vector_load %arg14[%swap3A_501] {strides = array<i32>} : memref<4096xf32, #tpu.memory_space<vmem>>, vector<16xf32>,
      tpu.vector_store %arg14[%swap3A_501], %gather3A_500 {strides = array<i32>} : memref<4096xf32, #tpu.memory_space<vmem>>, vector<16xf32>,
      %get3A_503 = arith.index_cast %mul3A_497 : i32 to index
      %get3A_504 = tpu.vector_load %arg13[%get3A_503] {strides = array<i32>} : memref<4096xi32, #tpu.memory_space<vmem>>, vector<16xi32>,
      %gather3A_505 = tpu.vector_load_idx %arg11[%get3A_504] : memref<1024xf32, #tpu.memory_space<vmem>>[vector<16xi32>], vector<16xf32>,
      %swap3A_506 = arith.index_cast %mul3A_497 : i32 to index
      %swap3A_507 = tpu.vector_load %arg15[%swap3A_506] {strides = array<i32>} : memref<4096xf32, #tpu.memory_space<vmem>>, vector<16xf32>,
      tpu.vector_store %arg15[%swap3A_506], %gather3A_505 {strides = array<i32>} : memref<4096xf32, #tpu.memory_space<vmem>>, vector<16xf32>,
      %mul3A_508 = arith.constant 4 : i32
      %mul3A_509 = arith.muli %scan3A_478, %mul3A_508 : i32
      %add3A_510 = arith.constant 2 : i32
      %add3A_511 = arith.addi %mul3A_509, %add3A_510 : i32
      %mul3A_512 = arith.constant 16 : i32
      %mul3A_513 = arith.muli %add3A_511, %mul3A_512 : i32
      %get3A_514 = arith.index_cast %mul3A_513 : i32 to index
      %get3A_515 = tpu.vector_load %arg12[%get3A_514] {strides = array<i32>} : memref<4096xi32, #tpu.memory_space<vmem>>, vector<16xi32>,
      %gather3A_516 = tpu.vector_load_idx %arg10[%get3A_515] : memref<100096xf32, #tpu.memory_space<vmem>>[vector<16xi32>], vector<16xf32>,
      %swap3A_517 = arith.index_cast %mul3A_513 : i32 to index
      %swap3A_518 = tpu.vector_load %arg14[%swap3A_517] {strides = array<i32>} : memref<4096xf32, #tpu.memory_space<vmem>>, vector<16xf32>,
      tpu.vector_store %arg14[%swap3A_517], %gather3A_516 {strides = array<i32>} : memref<4096xf32, #tpu.memory_space<vmem>>, vector<16xf32>,
      %get3A_519 = arith.index_cast %mul3A_513 : i32 to index
      %get3A_520 = tpu.vector_load %arg13[%get3A_519] {strides = array<i32>} : memref<4096xi32, #tpu.memory_space<vmem>>, vector<16xi32>,
      %gather3A_521 = tpu.vector_load_idx %arg11[%get3A_520] : memref<1024xf32, #tpu.memory_space<vmem>>[vector<16xi32>], vector<16xf32>,
      %swap3A_522 = arith.index_cast %mul3A_513 : i32 to index
      %swap3A_523 = tpu.vector_load %arg15[%swap3A_522] {strides = array<i32>} : memref<4096xf32, #tpu.memory_space<vmem>>, vector<16xf32>,
      tpu.vector_store %arg15[%swap3A_522], %gather3A_521 {strides = array<i32>} : memref<4096xf32, #tpu.memory_space<vmem>>, vector<16xf32>,
      %mul3A_524 = arith.constant 4 : i32
      %mul3A_525 = arith.muli %scan3A_478, %mul3A_524 : i32
      %add3A_526 = arith.constant 3 : i32
      %add3A_527 = arith.addi %mul3A_525, %add3A_526 : i32
      %mul3A_528 = arith.constant 16 : i32
      %mul3A_529 = arith.muli %add3A_527, %mul3A_528 : i32
      %get3A_530 = arith.index_cast %mul3A_529 : i32 to index
      %get3A_531 = tpu.vector_load %arg12[%get3A_530] {strides = array<i32>} : memref<4096xi32, #tpu.memory_space<vmem>>, vector<16xi32>,
      %gather3A_532 = tpu.vector_load_idx %arg10[%get3A_531] : memref<100096xf32, #tpu.memory_space<vmem>>[vector<16xi32>], vector<16xf32>,
      %swap3A_533 = arith.index_cast %mul3A_529 : i32 to index
      %swap3A_534 = tpu.vector_load %arg14[%swap3A_533] {strides = array<i32>} : memref<4096xf32, #tpu.memory_space<vmem>>, vector<16xf32>,
      tpu.vector_store %arg14[%swap3A_533], %gather3A_532 {strides = array<i32>} : memref<4096xf32, #tpu.memory_space<vmem>>, vector<16xf32>,
      %get3A_535 = arith.index_cast %mul3A_529 : i32 to index
      %get3A_536 = tpu.vector_load %arg13[%get3A_535] {strides = array<i32>} : memref<4096xi32, #tpu.memory_space<vmem>>, vector<16xi32>,
      %gather3A_537 = tpu.vector_load_idx %arg11[%get3A_536] : memref<1024xf32, #tpu.memory_space<vmem>>[vector<16xi32>], vector<16xf32>,
      %swap3A_538 = arith.index_cast %mul3A_529 : i32 to index
      %swap3A_539 = tpu.vector_load %arg15[%swap3A_538] {strides = array<i32>} : memref<4096xf32, #tpu.memory_space<vmem>>, vector<16xf32>,
      tpu.vector_store %arg15[%swap3A_538], %gather3A_537 {strides = array<i32>} : memref<4096xf32, #tpu.memory_space<vmem>>, vector<16xf32>,
    }
    %scan3A_477 = arith.constant 64 : i32
    "tpu.region"() ({
      %run_scoped3A = tpu.sem_alloc : memref<!tpu.dma_semaphore, #tpu.memory_space<semaphore_mem>>
      %dma_start3A_478 = arith.constant 0 : i32
      %dma_start3A_479 = tpu.memref_slice %arg8[%add3A, %dma_start3A_478] : memref<32x4096xf32, #tpu.memory_space<hbm>> -> memref<1x4096xf32, #tpu.memory_space<hbm>>
      %dma_start3A_480 = tpu.memref_squeeze %dma_start3A_479 : memref<1x4096xf32, #tpu.memory_space<hbm>> -> memref<4096xf32, #tpu.memory_space<hbm>>
      %dma_start3A_481 = arith.constant 0 : i32
      %dma_start3A_482 = tpu.memref_slice %arg8[%add3A, %dma_start3A_481] : memref<32x4096xf32, #tpu.memory_space<hbm>> -> memref<1x4096xf32, #tpu.memory_space<hbm>>
      %dma_start3A_483 = tpu.memref_squeeze %dma_start3A_482 : memref<1x4096xf32, #tpu.memory_space<hbm>> -> memref<4096xf32, #tpu.memory_space<hbm>>
      tpu.enqueue_dma source(%arg14 : memref<4096xf32, #tpu.memory_space<vmem>>) target(%dma_start3A_483 : memref<4096xf32, #tpu.memory_space<hbm>>) target_semaphore(%run_scoped3A : memref<!tpu.dma_semaphore, #tpu.memory_space<semaphore_mem>>)
      %dma_wait3A_484 = arith.constant 0 : i32
      %dma_wait3A_485 = tpu.memref_slice %arg8[%add3A, %dma_wait3A_484] : memref<32x4096xf32, #tpu.memory_space<hbm>> -> memref<1x4096xf32, #tpu.memory_space<hbm>>
      %dma_wait3A_486 = tpu.memref_squeeze %dma_wait3A_485 : memref<1x4096xf32, #tpu.memory_space<hbm>> -> memref<4096xf32, #tpu.memory_space<hbm>>
      %dma_wait3A_487 = arith.constant 0 : i32
      %dma_wait3A_488 = tpu.memref_slice %arg8[%add3A, %dma_wait3A_487] : memref<32x4096xf32, #tpu.memory_space<hbm>> -> memref<1x4096xf32, #tpu.memory_space<hbm>>
      %dma_wait3A_489 = tpu.memref_squeeze %dma_wait3A_488 : memref<1x4096xf32, #tpu.memory_space<hbm>> -> memref<4096xf32, #tpu.memory_space<hbm>>
      tpu.wait_dma2 semaphore(%run_scoped3A : memref<!tpu.dma_semaphore, #tpu.memory_space<semaphore_mem>>) src(%arg14 : memref<4096xf32, #tpu.memory_space<vmem>>) dst(%dma_wait3A_489 : memref<4096xf32, #tpu.memory_space<hbm>>)
      tpu.yield
    }) : () -> ()
    "tpu.region"() ({
      %run_scoped3A = tpu.sem_alloc : memref<!tpu.dma_semaphore, #tpu.memory_space<semaphore_mem>>
      %dma_start3A_478 = arith.constant 0 : i32
      %dma_start3A_479 = tpu.memref_slice %arg9[%add3A, %dma_start3A_478] : memref<32x4096xf32, #tpu.memory_space<hbm>> -> memref<1x4096xf32, #tpu.memory_space<hbm>>
      %dma_start3A_480 = tpu.memref_squeeze %dma_start3A_479 : memref<1x4096xf32, #tpu.memory_space<hbm>> -> memref<4096xf32, #tpu.memory_space<hbm>>
      %dma_start3A_481 = arith.constant 0 : i32
      %dma_start3A_482 = tpu.memref_slice %arg9[%add3A, %dma_start3A_481] : memref<32x4096xf32, #tpu.memory_space<hbm>> -> memref<1x4096xf32, #tpu.memory_space<hbm>>
      %dma_start3A_483 = tpu.memref_squeeze %dma_start3A_482 : memref<1x4096xf32, #tpu.memory_space<hbm>> -> memref<4096xf32, #tpu.memory_space<hbm>>
      tpu.enqueue_dma source(%arg15 : memref<4096xf32, #tpu.memory_space<vmem>>) target(%dma_start3A_483 : memref<4096xf32, #tpu.memory_space<hbm>>) target_semaphore(%run_scoped3A : memref<!tpu.dma_semaphore, #tpu.memory_space<semaphore_mem>>)
      %dma_wait3A_484 = arith.constant 0 : i32
      %dma_wait3A_485 = tpu.memref_slice %arg9[%add3A, %dma_wait3A_484] : memref<32x4096xf32, #tpu.memory_space<hbm>> -> memref<1x4096xf32, #tpu.memory_space<hbm>>
      %dma_wait3A_486 = tpu.memref_squeeze %dma_wait3A_485 : memref<1x4096xf32, #tpu.memory_space<hbm>> -> memref<4096xf32, #tpu.memory_space<hbm>>
      %dma_wait3A_487 = arith.constant 0 : i32
      %dma_wait3A_488 = tpu.memref_slice %arg9[%add3A, %dma_wait3A_487] : memref<32x4096xf32, #tpu.memory_space<hbm>> -> memref<1x4096xf32, #tpu.memory_space<hbm>>
      %dma_wait3A_489 = tpu.memref_squeeze %dma_wait3A_488 : memref<1x4096xf32, #tpu.memory_space<hbm>> -> memref<4096xf32, #tpu.memory_space<hbm>>
      tpu.wait_dma2 semaphore(%run_scoped3A : memref<!tpu.dma_semaphore, #tpu.memory_space<semaphore_mem>>) src(%arg15 : memref<4096xf32, #tpu.memory_space<vmem>>) dst(%dma_wait3A_489 : memref<4096xf32, #tpu.memory_space<hbm>>)
      tpu.yield
    }) : () -> ()
    return
  }
}

module attributes {stable_mosaic.version = 14 : i64} {
  func.func @_mm_body(%arg0: i32, %arg1: memref<32x512xf32, #tpu.memory_space<vmem>>, %arg2: memref<32x4096xf32, #tpu.memory_space<vmem>>, %arg3: memref<512x4096xf32, #tpu.memory_space<vmem>>, %arg4: memref<32x4096xbf16, #tpu.memory_space<vmem>>) attributes {dimension_semantics = [#tpu.dimension_semantics<arbitrary>], iteration_bounds = array<i64: 8>, scalar_prefetch = 0 : i64, scratch_operands = 1 : i64, tpu.core_type = #tpu.core_type<tc>, window_params = [{transform_indices = @transform_0, window_bounds = array<i64: 32, 512>}, {pipeline_mode = #tpu.pipeline_mode<synchronous>, transform_indices = @transform_1, window_bounds = array<i64: 32, 4096>}, {transform_indices = @transform_2, window_bounds = array<i64: 512, 4096>}]} {
    %eq3A = arith.constant 0 : i32
    %eq3A_0 = arith.cmpi eq, %arg0, %eq3A : i32
    %convert_element_type3A = arith.extui %eq3A_0 : i1 to i32
    %cond3A = arith.constant 0 : i32
    %cond3A_1 = arith.cmpi ne, %convert_element_type3A, %cond3A : i32
    scf.if %cond3A_1 {
      %get3A_21 = arith.constant 0 : index
      %get3A_22 = arith.constant 0 : index
      %get3A_23 = vector.load %arg2[%get3A_21, %get3A_22] : memref<32x4096xf32, #tpu.memory_space<vmem>>, vector<32x4096xf32>
      %mul3A_24 = arith.mulf %get3A_23, %get3A_23 : vector<32x4096xf32>
      %reduce_sum3A_25 = arith.constant dense<0.000000e+00> : vector<4096xf32>
      %reduce_sum3A_26 = vector.multi_reduction <add>, %mul3A_24, %reduce_sum3A_25 [0] : vector<32x4096xf32> to vector<4096xf32>
      %broadcast_in_dim3A_27 = vector.shape_cast %reduce_sum3A_26 : vector<4096xf32> to vector<1x4096xf32>
      %sqrt3A_28 = math.sqrt %broadcast_in_dim3A_27 : vector<1x4096xf32>
      %gt3A_29 = arith.constant 1.000000e+00 : f32
      %gt3A_30 = vector.broadcast %gt3A_29 : f32 to vector<1x4096xf32>
      %gt3A_31 = arith.cmpf ogt, %sqrt3A_28, %gt3A_30 : vector<1x4096xf32>
      %add3A_32 = arith.constant 1.000000e-07 : f32
      %add3A_33 = vector.broadcast %add3A_32 : f32 to vector<1x4096xf32>
      %add3A_34 = arith.addf %sqrt3A_28, %add3A_33 : vector<1x4096xf32>
      %div3A_35 = arith.constant 1.000000e+00 : f32
      %div3A_36 = vector.broadcast %div3A_35 : f32 to vector<1x4096xf32>
      %div3A_37 = arith.divf %div3A_36, %add3A_34 : vector<1x4096xf32>
      %jit3A_38 = arith.constant 1.000000e+00 : f32
      %broadcast_in_dim3A_39 = vector.broadcast %jit3A_38 : f32 to vector<1x4096xf32>
      %select_n3A_40 = arith.select %gt3A_31, %div3A_37, %broadcast_in_dim3A_39 : vector<1x4096xi1>, vector<1x4096xf32>
      %mul3A_41 = vector.broadcast %select_n3A_40 : vector<1x4096xf32> to vector<32x4096xf32>
      %mul3A_42 = arith.mulf %get3A_23, %mul3A_41 : vector<32x4096xf32>
      %convert_element_type3A_43 = arith.truncf %mul3A_42 : vector<32x4096xf32> to vector<32x4096xbf16>
      %swap3A_44 = arith.constant 0 : index
      %swap3A_45 = arith.constant 0 : index
      %swap3A_46 = vector.load %arg4[%swap3A_44, %swap3A_45] : memref<32x4096xbf16, #tpu.memory_space<vmem>>, vector<32x4096xbf16>
      tpu.vector_store %arg4[%swap3A_44, %swap3A_45], %convert_element_type3A_43 {strides = array<i32>} : memref<32x4096xbf16, #tpu.memory_space<vmem>>, vector<32x4096xbf16>,
    } else {
    }
    %get3A = arith.constant 0 : index
    %get3A_2 = arith.constant 0 : index
    %get3A_3 = vector.load %arg1[%get3A, %get3A_2] : memref<32x512xf32, #tpu.memory_space<vmem>>, vector<32x512xf32>
    %mul3A = arith.mulf %get3A_3, %get3A_3 : vector<32x512xf32>
    %reduce_sum3A = arith.constant dense<0.000000e+00> : vector<512xf32>
    %reduce_sum3A_4 = vector.multi_reduction <add>, %mul3A, %reduce_sum3A [0] : vector<32x512xf32> to vector<512xf32>
    %broadcast_in_dim3A = vector.shape_cast %reduce_sum3A_4 : vector<512xf32> to vector<1x512xf32>
    %sqrt3A = math.sqrt %broadcast_in_dim3A : vector<1x512xf32>
    %gt3A = arith.constant 1.000000e+00 : f32
    %gt3A_5 = vector.broadcast %gt3A : f32 to vector<1x512xf32>
    %gt3A_6 = arith.cmpf ogt, %sqrt3A, %gt3A_5 : vector<1x512xf32>
    %add3A = arith.constant 1.000000e-07 : f32
    %add3A_7 = vector.broadcast %add3A : f32 to vector<1x512xf32>
    %add3A_8 = arith.addf %sqrt3A, %add3A_7 : vector<1x512xf32>
    %div3A = arith.constant 1.000000e+00 : f32
    %div3A_9 = vector.broadcast %div3A : f32 to vector<1x512xf32>
    %div3A_10 = arith.divf %div3A_9, %add3A_8 : vector<1x512xf32>
    %jit3A = arith.constant 1.000000e+00 : f32
    %broadcast_in_dim3A_11 = vector.broadcast %jit3A : f32 to vector<1x512xf32>
    %select_n3A = arith.select %gt3A_6, %div3A_10, %broadcast_in_dim3A_11 : vector<1x512xi1>, vector<1x512xf32>
    %mul3A_12 = vector.broadcast %select_n3A : vector<1x512xf32> to vector<32x512xf32>
    %mul3A_13 = arith.mulf %get3A_3, %mul3A_12 : vector<32x512xf32>
    %convert_element_type3A_14 = arith.truncf %mul3A_13 : vector<32x512xf32> to vector<32x512xbf16>
    %get3A_15 = arith.constant 0 : index
    %get3A_16 = arith.constant 0 : index
    %get3A_17 = vector.load %arg4[%get3A_15, %get3A_16] : memref<32x4096xbf16, #tpu.memory_space<vmem>>, vector<32x4096xbf16>
    %dot_general3A = arith.constant dense<0.000000e+00> : vector<512x4096xf32>
    %dot_general3A_18 = tpu.matmul %convert_element_type3A_14, %get3A_17, %dot_general3A {dimension_numbers = #tpu.dot_dimension_numbers<[0], [0], [1], [1], [0, 1, 1, 1], [], []>, transpose_lhs_hint = false} : vector<32x512xbf16>, vector<32x4096xbf16>, vector<512x4096xf32> -> vector<512x4096xf32>
    %swap3A = arith.constant 0 : index
    %swap3A_19 = arith.constant 0 : index
    %swap3A_20 = vector.load %arg3[%swap3A, %swap3A_19] : memref<512x4096xf32, #tpu.memory_space<vmem>>, vector<512x4096xf32>
    tpu.vector_store %arg3[%swap3A, %swap3A_19], %dot_general3A_18 {strides = array<i32>} : memref<512x4096xf32, #tpu.memory_space<vmem>>, vector<512x4096xf32>,
    return
  }
  func.func @transform_0(%arg0: i32) -> (i32, i32) {
    %c0_i32 = arith.constant 0 : i32
    %c0_i32_0 = arith.constant 0 : i32
    return %c0_i32, %arg0 : i32, i32
  }
  func.func @transform_1(%arg0: i32) -> (i32, i32) {
    %c0_i32 = arith.constant 0 : i32
    %c0_i32_0 = arith.constant 0 : i32
    %c0_i32_1 = arith.constant 0 : i32
    return %c0_i32, %c0_i32_0 : i32, i32
  }
  func.func @transform_2(%arg0: i32) -> (i32, i32) {
    %c0_i32 = arith.constant 0 : i32
    %c0_i32_0 = arith.constant 0 : i32
    return %arg0, %c0_i32 : i32, i32
  }
}

</mosaic_0001>

<sc_bundles>
// kernel: kernel.4.cloned.1.call-start
scs
__scs_entry_jumppad:
0x0: {  	(pc) =	sbr.rel $0x88, $3  }
0x1: {  	(tag) =	ssettag $0x0;
	lr =	simm.s32 $0x1  }
0x2: {  	[smem:$0x3F9D] =	sst lr;
	_ =	strace $0xD0000000  }
0x3: {  	_ = 	snop  }
0x4: {  	_ = 	snop  }
0x5: {  	_ = 	snop  }
0x6: {  	_ = 	snop  }
0x7: {  	_ = 	snop  }
__scs_overlays_trampoline_lowered:
0x8: {  	[smem:$0x3FAC] =	sst s0  }
0x9: {  	[smem:$0x3FAD] =	sst s1  }
0xa: {  	[smem:$0x3FAE] =	sst s2  }
0xb: {  	[smem:$0x3FAF] =	sst s3  }
0xc: {  	[smem:$0x3FB0] =	sst s4  }
0xd: {  	[smem:$0x3FB1] =	sst s5  }
0xe: {  	[smem:$0x3FB2] =	sst s6  }
0xf: {  	[smem:$0x3FB3] =	sst s7  }
0x10: {  	[smem:$0x3FB4] =	sst s8  }
0x11: {  	[smem:$0x3FB5] =	sst s9;
	s0 =	simm.s32 @!p0 $0x0  }
0x12: {  	s1 =	sld [smem:$0x3F9B];
	s0 =	simm.s32 @p0 $0x1  }
0x13: {  	[smem:$0x3FB6] =	sst s0;
	s0 =	simm.s32 @!p1 $0x0  }
0x14: {  	s2 =	sld [smem:$0x3F9A];
	s0 =	simm.s32 @p1 $0x1  }
0x15: {  	[smem:$0x3FB7] =	sst s0;
	s0 =	simm.s32 @!p2 $0x0  }
0x16: {  	s3 =	sld [smem:$0x3FDB];
	s0 =	simm.s32 @p2 $0x1  }
0x17: {  	s4 =	simm.s32 $0x1BF5;
	[smem:$0x3FB9] =	sst s0  }
0x18: {  	s0 =	sld [smem:$0x3F9C];
	_ =	swait.ge [sflag:s4], $0x0  }
0x19: {  	s7 =	sld [smem:$0x3F9D]  }
0x1a: {  	s8 =	sadd.s32 $0xFFFFE003, lr  }
0x1b: {  	s9 =	sadd.s32 $0xFFFFFEF7, lr;
	s5 =	simm.s32 $0xFFFFFFFF;
	p2 =	slt.u32 s8, $0xFFFFF086  }
0x1c: {  	p1 =	slt.u32 s9, $0xF7A;
	s5 =	simm.s32 @!p2 $0x0  }
0x1d: {  	s5 =	simm.s32 @p1 $0x1;
	p0 =	seq.s32 s7, s2  }
0x1e: {  	s7 =	smul.u32 @!p0 $0xF7A, s2;
	p2 =	seq.s32 @!p0 s5, $0x0  }
0x1f: {  	s9 =	smul.u32 $0xF7A, s1;
	s8 =	simm.s32 @!p0 $0x1BF5;
	p2 =	por !p2, p0  }
0x20: {  	[sflag:s8] =	ssyncset.s32 @!p0 $0xFFFFF086;
	s6 =	sadd.s32 @!p0 s3, s7;
	s7 =	simm.s32 @!p0 $0x108  }
0x21: {  	s3 =	sadd.s32 s3, s9;
	s6 =	sadd.s32 @!p0 $0x88, s6;
	s7 =	simm.s32 @p2 $0x1082  }
0x22: {  	[simem:s7], [sflag:s8] =	dma.local @!p0 [hbm:s6], $0xF7A  }
0x23: {  	s9 =	sor.u32 $0xD0000000, s2;
	s6 =	simm.s32 $0x108;
	_ =	swait.ge @!p0 [sflag:s8], $0x0  }
0x24: {  	s3 =	sadd.s32 $0x88, s3;
	s6 =	simm.s32 @!p1 $0x1082;
	[sflag:s4] =	ssyncset.s32 $0xFFFFF086  }
0x25: {  	[simem:s6], [sflag:s4] =	dma.local [hbm:s3], $0xF7A  }
0x26: {  	[smem:$0x3F9D] =	sst s1;
	(tag) =	ssettag s2;
	_ =	strace s9  }
0x27: {  	s1 =	sld [smem:$0x3FAD]  }
0x28: {  	s2 =	sld [smem:$0x3FAE]  }
0x29: {  	s4 =	sld [smem:$0x3FB0]  }
0x2a: {  	p0 =	seq.s32 s5, $0x0;
	s5 =	sld [smem:$0x3FB1]  }
0x2b: {  	s6 =	sld [smem:$0x3FB2]  }
0x2c: {  	s7 =	sld [smem:$0x3FB3]  }
0x2d: {  	s3 =	simm.s32 $0x108;
	s8 =	sld [smem:$0x3FB4]  }
0x2e: {  	s3 =	simm.s32 @!p0 $0x1082;
	s9 =	sld [smem:$0x3FB5]  }
0x2f: {  	lr =	sadd.s32 s0, s3;
	s0 =	sld [smem:$0x3FAC]  }
0x30: {  	s3 =	sld [smem:$0x3FAF]  }
0x31: {  	[smem:$0x3FB8] =	sst s10  }
0x32: {  	s10 =	sld [smem:$0x3FB6];
	_ =	sdelay $0x3  }
0x33: {  	p0 =	seq.s32 s10, $0x1;
	s10 =	sld [smem:$0x3FB8];
	_ =	sdelay $0x3  }
0x34: {  	[smem:$0x3FB8] =	sst s10  }
0x35: {  	s10 =	sld [smem:$0x3FB7];
	_ =	sdelay $0x3  }
0x36: {  	p1 =	seq.s32 s10, $0x1;
	s10 =	sld [smem:$0x3FB8];
	_ =	sdelay $0x3  }
0x37: {  	[smem:$0x3FB8] =	sst s10  }
0x38: {  	s10 =	sld [smem:$0x3FB9]  }
0x39: {  	_ = 	snop;
	(pc) =	sbr.ind lr, $3  }
0x3a: {  	_ = 	snop  }
0x3b: {  	_ = 	snop  }
0x3c: {  	p2 =	seq.s32 s10, $0x1;
	s10 =	sld [smem:$0x3FB8]  }
0x3d: {  	_ =	shalt  }
0x3e: {  	_ =	shalt  }
0x3f: {  	_ =	shalt  }
0x40: {  	_ =	shalt  }
0x41: {  	_ =	shalt  }
0x42: {  	_ =	shalt  }
0x43: {  	_ =	shalt  }
0x44: {  	_ =	shalt  }
0x45: {  	_ =	shalt  }
0x46: {  	_ =	shalt  }
0x47: {  	_ =	shalt  }
0x48: {  	_ =	shalt  }
0x49: {  	_ =	shalt  }
0x4a: {  	_ =	shalt  }
0x4b: {  	_ =	shalt  }
0x4c: {  	_ =	shalt  }
0x4d: {  	_ =	shalt  }
0x4e: {  	_ =	shalt  }
0x4f: {  	_ =	shalt  }
0x50: {  	_ =	shalt  }
0x51: {  	_ =	shalt  }
0x52: {  	_ =	shalt  }
0x53: {  	_ =	shalt  }
0x54: {  	_ =	shalt  }
0x55: {  	_ =	shalt  }
0x56: {  	_ =	shalt  }
0x57: {  	_ =	shalt  }
0x58: {  	_ =	shalt  }
0x59: {  	_ =	shalt  }
0x5a: {  	_ =	shalt  }
0x5b: {  	_ =	shalt  }
0x5c: {  	_ =	shalt  }
0x5d: {  	_ =	shalt  }
0x5e: {  	_ =	shalt  }
0x5f: {  	_ =	shalt  }
0x60: {  	_ =	shalt  }
0x61: {  	_ =	shalt  }
0x62: {  	_ =	shalt  }
0x63: {  	_ =	shalt  }
0x64: {  	_ =	shalt  }
0x65: {  	_ =	shalt  }
0x66: {  	_ =	shalt  }
0x67: {  	_ =	shalt  }
0x68: {  	_ =	shalt  }
0x69: {  	_ =	shalt  }
0x6a: {  	_ =	shalt  }
0x6b: {  	_ =	shalt  }
0x6c: {  	_ =	shalt  }
0x6d: {  	_ =	shalt  }
0x6e: {  	_ =	shalt  }
0x6f: {  	_ =	shalt  }
0x70: {  	_ =	shalt  }
0x71: {  	_ =	shalt  }
0x72: {  	_ =	shalt  }
0x73: {  	_ =	shalt  }
0x74: {  	_ =	shalt  }
0x75: {  	_ =	shalt  }
0x76: {  	_ =	shalt  }
0x77: {  	_ =	shalt  }
0x78: {  	_ =	shalt  }
0x79: {  	_ =	shalt  }
0x7a: {  	_ =	shalt  }
0x7b: {  	_ =	shalt  }
0x7c: {  	_ =	shalt  }
0x7d: {  	_ =	shalt  }
0x7e: {  	_ =	shalt  }
0x7f: {  	_ =	shalt  }
0x80: {  	_ =	shalt  }
0x81: {  	_ =	shalt  }
0x82: {  	_ =	shalt  }
0x83: {  	_ =	shalt  }
0x84: {  	_ =	shalt  }
0x85: {  	_ =	shalt  }
0x86: {  	_ =	shalt  }
0x87: {  	_ =	shalt  }
.Lfunc_end0:
.L_simem_size_0:
called_computation_lowered:
.L_overlay_start_0:
0x88: {  	s2 =	sld [smem:$0x3FD9]  }
0x89: {  	s3 =	sld [smem:$0x3FFE];
	_ =	sdelay $0x1  }
0x8a: {  	s1 =	srdreg.scid  }
0x8b: {  	s0 =	sand.u32 $0x1, s1  }
0x8c: {  	s17 =	sshll.u32 s0, $0xA;
	s2 =	sadd.s32 s3, s2  }
0x8d: {  	s2 =	sadd.s32 s2, s17  }
0x8e: {  	[smem:$0x3FC4] =	sst s2  }
0x8f: {  	_ = 	snop  }
0x90: {  	s2 =	sld [smem:$0x3FC9]  }
0x91: {  	s18 =	sld [smem:$0x3FC8]  }
0x92: {  	s4 =	sld [smem:$0x3FC7]  }
0x93: {  	s5 =	sld [smem:$0x3FC6]  }
0x94: {  	s6 =	sld [smem:$0x3FD0];
	(tm) =	ssettm $0x1  }
0x95: {  	s7 =	sld [smem:$0x3FFB];
	_ =	sdelay $0x3  }
0x96: {  	_ =	strace s7  }
0x97: {  	s7 =	sld [smem:$0x3FFC];
	_ =	sdelay $0x3  }
0x98: {  	_ =	strace s7  }
0x99: {  	s7 =	sld [smem:$0x3FFD];
	_ =	sdelay $0x3  }
0x9a: {  	_ =	strace s7  }
0x9b: {  	_ =	strace $0x8FFFFFFF  }
0x9c: {  	s19 =	sld [smem:$0x3FDB];
	_ =	sdelay $0x1  }
0x9d: {  	s8 =	simm.s32 $_scs_section_size  }
0x9e: {  	s9 =	simm.s32 $_size__tile_overlayer_lowered;
	s10 =	simm.s32 $_tile_overlayer_lowered  }
0x9f: {  	s22 =	simm.s32 $0x1BFF;
	s21 =	sshll.u32 s10, $0x1;
	s7 =	sadd.s32 s8, s19  }
0xa0: {  	s11 =	simm.s32 $0x0;
	s20 =	sshll.u32 s9, $0x1;
	s9 =	sadd.s32 s21, s7  }
0xa1: {  	[timem:s11], [sflag:s22] =	dma.local [hbm:s9], s20  }
0xa2: {  	_ =	swait.ge [sflag:s22], s20  }
0xa3: {  	s8 =	ssub.s32 $0x0, s20;
	[sflag:s22] =	ssyncset.done $0x0  }
0xa4: {  	[sflag:s22] =	ssyncadd.s32 s8;
	_ =	sdelay $0x1  }
0xa5: {  	s23 =	simm.s32 $0x1B8B  }
0xa6: {  	_ =	swait.ge [sflag:s23], $0x1  }
0xa7: {  	[sflag:s23] =	ssyncset.done $0x0  }
0xa8: {  	s25 =	simm.s32 $0x1B8E;
	s24 =	sld [smem:$0x3FFE];
	[sflag:s23] =	ssyncadd.s32 $0xFFFFFFFF  }
0xa9: {  	s26 =	simm.s32 $execute0_lowered;
	[smem:$0x3FD2] =	sst s25  }
0xaa: {  	s9 =	sshll.u32 s26, $0x1;
	_ =	strace $0x80000046;
	[dreg:$0x1] =	wrdreg $0xFFFFFFFF  }
0xab: {  	s28 =	simm.s32 $_size_execute0_lowered;
	s7 =	sadd.s32 s7, s9;
	[dreg:$0x0] =	wrdreg $0x0  }
0xac: {  	s9 =	sshll.u32 s28, $0x1;
	[dreg:$0x2] =	wrdreg s7  }
0xad: {  	[dreg:$0x3] =	wrdreg s9  }
0xae: {  	[dreg:$0x4] =	wrdreg $0xC0  }
0xaf: {  	_ =	task [dreg:s11], $0x5FFFF  }
0xb0: {  	[dreg:$0x1] =	wrdreg $0xFFFFFFFF  }
0xb1: {  	[dreg:$0x0] =	wrdreg $0x60  }
0xb2: {  	[dreg:$0x2] =	wrdreg s4  }
0xb3: {  	[dreg:$0x3] =	wrdreg s2  }
0xb4: {  	[dreg:$0x4] =	wrdreg s5  }
0xb5: {  	[dreg:$0x5] =	wrdreg s18  }
0xb6: {  	[dreg:$0x6] =	wrdreg s24  }
0xb7: {  	[dreg:$0x7] =	wrdreg s6  }
0xb8: {  	[dreg:$0x8] =	wrdreg $0x9  }
0xb9: {  	_ =	task.clear_ibuf [dreg:s11], $0x9FFFF;
	_ =	strace $0x90000046  }
0xba: {  	s29 =	simm.s32 $0x9;
	_ =	strace $0x80000048  }
0xbb: {  	_ =	swait.ge [sflag:s29], $0x1  }
0xbc: {  	[sflag:s29] =	ssyncadd.s32 $0xFFFFFFFF  }
0xbd: {  	_ =	strace $0x90000048  }
0xbe: {  	_ =	sfence  }
0xbf: {  	s30 =	sld [smem:$0x0];
	_ =	sdelay $0x2  }
0xc0: {  	s31 =	sshll.u32 s1, $0xD;
	s1 =	sshrl.u32 s1, $0x2  }
0xc1: {  	s3 =	sand.u32 $0x4000, s31;
	s1 =	sadd.s32 s1, s30  }
0xc2: {  	s0 =	sor.u32 s3, s0;
	s1 =	sshll.u32 s1, $0x11  }
0xc3: {  	s0 =	sor.u32 s1, s0  }
0xc4: {  	s0 =	sadd.s32 $0x8F2B, s0  }
0xc5: {  	[sflag:s0] =	ssyncadd.remote.s32 $0x1  }
0xc6: {  	_ =	sfence.sel $0xFFFF  }
0xc7: {  	[dreg:$0x0] =	wrdreg $0xFFFFFFFF;
	(pc) =	sbr.abs _section_cstart, $3  }
0xc8: {  	[dreg:$0x1] =	wrdreg $0xFFFFFFFF  }
0xc9: {  	_ =	task.clear_ibuf [dreg:s11], $0x2FFFF;
	_ =	strace $0x9FFFFFFF  }
0xca: {  	(tm) =	ssettm $0x7FFFFFFF  }
0xcb: {  	_ =	shalt  }
tec
execute0_lowered:
.L_overlay_start_1:
0x0: {  	(tag) =	ssettag $0x1  }
0x1: {  	s0 =	rddreg [dreg:$0x0]  }
0x2: {  	s6 =	rddreg [dreg:$0x2]  }
0x3: {  	s2 =	rddreg [dreg:$0x4]  }
0x4: {  	s7 =	rddreg [dreg:$0x5]  }
0x5: {  	s1 =	srdreg.scid;
	s4 =	stileid.u32  }
0x6: {  	s1 =	sand.u32 $0x1, s1;
	s3 =	sshll.u32 s4, $0x8;
	s8 =	sshrl.u32 s4, $0x2  }
0x7: {  	s4 =	simm.s32 $0x0;
	s5 =	sshll.u32 s1, $0x7;
	s3 =	sand.u32 $0x300, s3  }
0x8: {  	s22 =	sshll.u32 s8, $0xA;
	[smem:$0x7FF] =	sst s4;
	s23 =	sshll.u32 s8, $0xF  }
0x9: {  	s10 =	ssub.s32 $0x2, s1;
	s11 =	smul.u32 $0xC3800, s8;
	s8 =	sshll.u32 s8, $0xD  }
0xa: {  	s9 =	sor.u32 s5, s3;
	_ =	strace $0x80000047;
	s24 =	sshrl.u32 s10, $0x1  }
0xb: {  	s3 =	sor.u32 s22, s9;
	s5 =	sor.u32 s23, s9;
	s8 =	sor.u32 s8, s9  }
0xc: {  	s3 =	sshrl.u32 s3, $0x3;
	s12 =	sshrl.u32 s5, $0x3;
	s5 =	sor.u32 s11, s9  }
0xd: {  	s8 =	sshrl.u32 s8, $0x3;
	s1 =	sadd.s32 s3, s2;
	s2 =	sadd.s32 s12, s2  }
0xe: {  	s3 =	ssub.s32 s10, s24;
	s25 =	sadd.s32 $0xC0000, s5;
	s11 =	sadd.s32 $0xC0400, s5  }
0xf: {  	s13 =	sadd.s32 $0xC0800, s5;
	s14 =	sadd.s32 $0xC1000, s5;
	s15 =	sadd.s32 $0xC1400, s5  }
0x10: {  	s18 =	sadd.s32 $0xC1800, s5;
	s19 =	sadd.s32 $0xC1C00, s5;
	s20 =	sadd.s32 $0xC2000, s5  }
0x11: {  	s23 =	sadd.s32 $0xC2400, s5;
	s7 =	sadd.s32 s7, s12;
	s10 =	sshrl.u32 s25, $0x3  }
0x12: {  	s11 =	sshrl.u32 s11, $0x3;
	[smem:$0x7FD] =	sst s7;
	s10 =	sadd.s32 s0, s10  }
0x13: {  	s13 =	sshrl.u32 s13, $0x3;
	s26 =	sadd.s32 s0, s11;
	[dreg:$0x16] =	wrdreg s10  }
0x14: {  	s11 =	sadd.s32 s0, s13;
	s13 =	sadd.s32 $0xC0C00, s5;
	[dreg:$0x17] =	wrdreg s26  }
0x15: {  	s24 =	sadd.s32 $0xC2800, s5;
	[dreg:$0x18] =	wrdreg s11;
	s10 =	sshrl.u32 s13, $0x3  }
0x16: {  	s11 =	sshrl.u32 s14, $0x3;
	s13 =	sshrl.u32 s15, $0x3;
	s10 =	sadd.s32 s0, s10  }
0x17: {  	s15 =	sadd.s32 $0x3800, s5;
	s16 =	sadd.s32 s0, s11;
	[dreg:$0x19] =	wrdreg s10  }
0x18: {  	s17 =	sadd.s32 s0, s13;
	s11 =	sshrl.u32 s19, $0x3;
	[dreg:$0x1a] =	wrdreg s16  }
0x19: {  	s13 =	sshrl.u32 s20, $0x3;
	s19 =	sadd.s32 $0x3000, s5;
	[dreg:$0x1b] =	wrdreg s17  }
0x1a: {  	s10 =	sshrl.u32 s18, $0x3;
	s21 =	sadd.s32 s0, s11;
	s22 =	sadd.s32 s0, s13  }
0x1b: {  	s11 =	sshrl.u32 s24, $0x3;
	s16 =	sadd.s32 s6, s8;
	s17 =	sshrl.u32 s15, $0x3  }
0x1c: {  	s18 =	sadd.s32 $0x3400, s5;
	s10 =	sadd.s32 s0, s10;
	[dreg:$0x1d] =	wrdreg s21  }
0x1d: {  	[dreg:$0x1e] =	wrdreg s22;
	s26 =	sadd.s32 s0, s11;
	s11 =	sadd.s32 $0x3C00, s5  }
0x1e: {  	s7 =	sshrl.u32 s18, $0x3;
	s21 =	sshrl.u32 s19, $0x3;
	s19 =	sadd.s32 $0x1400, s5  }
0x1f: {  	s28 =	sadd.s32 $0x180, s16;
	s29 =	sadd.s32 $0x200, s16;
	s30 =	sadd.s32 $0x280, s16  }
0x20: {  	s31 =	sadd.s32 $0x300, s16;
	[dreg:$0x1c] =	wrdreg s10;
	s10 =	sshrl.u32 s23, $0x3  }
0x21: {  	[smem:$0x7FC] =	sst s26;
	s13 =	sshrl.u32 s11, $0x3;
	s20 =	sadd.s32 s7, s0  }
0x22: {  	s22 =	sadd.s32 s21, s0;
	s23 =	sadd.s32 $0x2C00, s5;
	s26 =	sadd.s32 $0x2400, s5  }
0x23: {  	s11 =	sadd.s32 $0x2000, s5;
	s21 =	sadd.s32 $0x1000, s5;
	s25 =	sadd.s32 s0, s10  }
0x24: {  	s10 =	sshrl.u32 s5, $0x3;
	s14 =	sadd.s32 s13, s0;
	[dreg:$0xa] =	wrdreg s20  }
0x25: {  	[dreg:$0xb] =	wrdreg s22;
	s24 =	sshrl.u32 s23, $0x3;
	s9 =	sshrl.u32 s26, $0x3  }
0x26: {  	s12 =	sshrl.u32 s11, $0x3;
	s13 =	sadd.s32 $0x1C00, s5;
	s22 =	sshrl.u32 s21, $0x3  }
0x27: {  	s23 =	sadd.s32 $0xC00, s5;
	s26 =	sadd.s32 $0xC3000, s5;
	[dreg:$0x1f] =	wrdreg s25  }
0x28: {  	s6 =	sadd.s32 s10, s0;
	[dreg:$0x8] =	wrdreg s14;
	s25 =	sadd.s32 $0x2800, s5  }
0x29: {  	s10 =	sadd.s32 s9, s0;
	s14 =	sadd.s32 $0xC2C00, s5;
	[dreg:$0x7] =	wrdreg s6  }
0x2a: {  	s6 =	sadd.s32 s17, s0;
	s7 =	sshrl.u32 s25, $0x3;
	[dreg:$0xe] =	wrdreg s10  }
0x2b: {  	s17 =	sadd.s32 $0x1800, s5;
	s8 =	sshrl.u32 s14, $0x3;
	s25 =	sadd.s32 $0x800, s5  }
0x2c: {  	s5 =	sor.u32 $0x400, s5;
	[dreg:$0x9] =	wrdreg s6;
	s6 =	sadd.s32 s24, s0  }
0x2d: {  	s7 =	sadd.s32 s7, s0;
	s18 =	sshrl.u32 s17, $0x3;
	[dreg:$0xc] =	wrdreg s6  }
0x2e: {  	s5 =	sshrl.u32 s5, $0x3;
	[dreg:$0xd] =	wrdreg s7;
	s6 =	sadd.s32 s12, s0  }
0x2f: {  	s7 =	sshrl.u32 s13, $0x3;
	s21 =	sadd.s32 s5, s0;
	s5 =	simm.s32 $0x400  }
0x30: {  	[dreg:$0xf] =	wrdreg s6;
	s15 =	sadd.s32 s7, s0;
	s6 =	sadd.s32 s18, s0  }
0x31: {  	s7 =	sshrl.u32 s19, $0x3;
	s18 =	sadd.s32 s0, s8;
	[dreg:$0x10] =	wrdreg s15  }
0x32: {  	[dreg:$0x11] =	wrdreg s6;
	s20 =	sadd.s32 s7, s0;
	s6 =	sadd.s32 s22, s0  }
0x33: {  	s7 =	sshrl.u32 s23, $0x3;
	s22 =	sadd.s32 $0x80, s16;
	[dreg:$0x12] =	wrdreg s20  }
0x34: {  	s23 =	sadd.s32 $0xE00, s1;
	[dreg:$0x13] =	wrdreg s6;
	s24 =	sadd.s32 s7, s0  }
0x35: {  	s7 =	sshrl.u32 s25, $0x3;
	s6 =	sshrl.u32 s26, $0x3;
	s20 =	sadd.s32 $0xC00, s1  }
0x36: {  	s25 =	smax.u32 s3, $0x1;
	s26 =	sadd.s32 $0x100, s16;
	s1 =	simm.s32 $0x1  }
0x37: {  	s3 =	simm.s32 $0x80;
	[dreg:$0x14] =	wrdreg s24;
	s7 =	sadd.s32 s7, s0  }
0x38: {  	s19 =	sadd.s32 s0, s6;
	s24 =	sadd.s32 $0x1000, s2;
	s0 =	simm.s32 $0x18700  }
0x39: {  	s2 =	simm.s32 $0x2;
	s6 =	simm.s32 $0x0;
	[dreg:$0x15] =	wrdreg s7  }
.LBB2_1:
0x3a: {  	s7 =	rddreg [dreg:$0x7]  }
0x3b: {  	s8 =	simm.s32 $0x0;
	s9 =	rddreg [dreg:$0x15]  }
0x3c: {  	s15 =	simm.s32 $0x80;
	s10 =	rddreg [dreg:$0x14];
	s7 =	sadd.s32 $0x0, s7  }
0x3d: {  	[tilespmem:s8], [sflag:$0x1] =	stream.linear.gather [hbm4b:s7+s4], $0x80, $0x38;
	[tilespmem:$0x1CB00] =	vst v63  }
0x3e: {  	s17 =	sadd.s32 $0x0, s21;
	s11 =	simm.s32 $0x100;
	s13 =	rddreg [dreg:$0x13]  }
0x3f: {  	[tilespmem:s15], [sflag:$0x1] =	stream.linear.gather [hbm4b:s17+s4], $0x80, $0x38;
	[tilespmem:$0x1CB00] =	vst v63  }
0x40: {  	s14 =	simm.s32 $0x180;
	s12 =	sadd.s32 $0x0, s9;
	s8 =	simm.s32 $0x600  }
0x41: {  	[tilespmem:s11], [sflag:$0x1] =	stream.linear.gather [hbm4b:s12+s4], $0x80, $0x38;
	[tilespmem:$0x1CB00] =	vst v63  }
0x42: {  	s7 =	simm.s32 $0x800;
	s15 =	sadd.s32 $0x0, s10;
	s17 =	rddreg [dreg:$0x12]  }
0x43: {  	[tilespmem:s14], [sflag:$0x1] =	stream.linear.gather [hbm4b:s15+s4], $0x80, $0x38;
	[tilespmem:$0x1CB00] =	vst v63  }
0x44: {  	s11 =	simm.s32 $0x200;
	s12 =	sadd.s32 $0x0, s13;
	s13 =	rddreg [dreg:$0x11]  }
0x45: {  	[tilespmem:s11], [sflag:$0x1] =	stream.linear.gather [hbm4b:s12+s4], $0x80, $0x38;
	[tilespmem:$0x1CB00] =	vst v63  }
0x46: {  	s14 =	simm.s32 $0x280;
	s15 =	sadd.s32 $0x0, s17;
	s17 =	rddreg [dreg:$0x10]  }
0x47: {  	[tilespmem:s14], [sflag:$0x1] =	stream.linear.gather [hbm4b:s15+s4], $0x80, $0x38;
	[tilespmem:$0x1CB00] =	vst v63  }
0x48: {  	s11 =	simm.s32 $0x300;
	s12 =	sadd.s32 $0x0, s13;
	s13 =	rddreg [dreg:$0xf]  }
0x49: {  	[tilespmem:s11], [sflag:$0x1] =	stream.linear.gather [hbm4b:s12+s4], $0x80, $0x38;
	[tilespmem:$0x1CB00] =	vst v63  }
0x4a: {  	s14 =	simm.s32 $0x380;
	s15 =	sadd.s32 $0x0, s17;
	s17 =	rddreg [dreg:$0xe]  }
0x4b: {  	[tilespmem:s14], [sflag:$0x1] =	stream.linear.gather [hbm4b:s15+s4], $0x80, $0x38;
	[tilespmem:$0x1CB00] =	vst v63  }
0x4c: {  	s11 =	simm.s32 $0x400;
	s12 =	sadd.s32 $0x0, s13;
	s13 =	rddreg [dreg:$0xd]  }
0x4d: {  	[tilespmem:s11], [sflag:$0x1] =	stream.linear.gather [hbm4b:s12+s4], $0x80, $0x38;
	[tilespmem:$0x1CB00] =	vst v63  }
0x4e: {  	s14 =	simm.s32 $0x480;
	s15 =	sadd.s32 $0x0, s17;
	s17 =	rddreg [dreg:$0xc]  }
0x4f: {  	[tilespmem:s14], [sflag:$0x1] =	stream.linear.gather [hbm4b:s15+s4], $0x80, $0x38;
	[tilespmem:$0x1CB00] =	vst v63  }
0x50: {  	s11 =	simm.s32 $0x500;
	s12 =	sadd.s32 $0x0, s13;
	s13 =	rddreg [dreg:$0xb]  }
0x51: {  	[tilespmem:s11], [sflag:$0x1] =	stream.linear.gather [hbm4b:s12+s4], $0x80, $0x38;
	[tilespmem:$0x1CB00] =	vst v63  }
0x52: {  	s14 =	simm.s32 $0x580;
	s15 =	sadd.s32 $0x0, s17;
	s17 =	rddreg [dreg:$0xa]  }
0x53: {  	[tilespmem:s14], [sflag:$0x1] =	stream.linear.gather [hbm4b:s15+s4], $0x80, $0x38;
	[tilespmem:$0x1CB00] =	vst v63  }
0x54: {  	s10 =	simm.s32 $0x1000;
	s11 =	sadd.s32 $0x0, s13;
	s12 =	rddreg [dreg:$0x9]  }
0x55: {  	[tilespmem:s8], [sflag:$0x1] =	stream.linear.gather [hbm4b:s11+s4], $0x80, $0x38;
	[tilespmem:$0x1CB00] =	vst v63  }
0x56: {  	s13 =	simm.s32 $0x680;
	s14 =	sadd.s32 $0x0, s17;
	s15 =	rddreg [dreg:$0x8]  }
0x57: {  	[tilespmem:s13], [sflag:$0x1] =	stream.linear.gather [hbm4b:s14+s4], $0x80, $0x38;
	[tilespmem:$0x1CB00] =	vst v63  }
0x58: {  	s9 =	sadd.s32 $0x0, s12;
	s17 =	simm.s32 $0x700;
	s11 =	sadd.s32 $0x0, s15  }
0x59: {  	[tilespmem:s17], [sflag:$0x1] =	stream.linear.gather [hbm4b:s9+s4], $0x80, $0x38;
	[tilespmem:$0x1CB00] =	vst v63  }
0x5a: {  	s8 =	simm.s32 $0xF80;
	s13 =	rddreg [dreg:$0x7];
	s9 =	simm.s32 $0x780  }
.LBB2_2:
0x5b: {  	[tilespmem:s9], [sflag:$0x1] =	stream.linear.gather [hbm4b:s11+s4], $0x80, $0x38;
	[tilespmem:$0x1CB00] =	vst v63  }
0x5c: {  	s11 =	smov.u32 s7;
	s7 =	smov.u32 s10  }
0x5d: {  	s9 =	smov.u32 s8;
	p0 =	sne.s32 s10, $0x17800;
	s12 =	rddreg [dreg:$0x8]  }
0x5e: {  	s14 =	sadd.s32 $0xFFFFF880, s8;
	s15 =	rddreg [dreg:$0x15];
	s13 =	sadd.s32 s11, s13  }
0x5f: {  	[tilespmem:s14], [sflag:$0x1] =	stream.linear.gather [hbm4b:s13+s4], $0x80, $0x38;
	[tilespmem:$0x1CB00] =	vst v63  }
0x60: {  	s17 =	rddreg [dreg:$0x14];
	s13 =	sadd.s32 $0xFFFFF900, s8;
	s14 =	sadd.s32 s11, s21  }
0x61: {  	[tilespmem:s13], [sflag:$0x1] =	stream.linear.gather [hbm4b:s14+s4], $0x80, $0x38;
	[tilespmem:$0x1CB00] =	vst v63  }
0x62: {  	s13 =	sadd.s32 $0xFFFFF980, s8;
	s14 =	sadd.s32 s11, s15;
	s15 =	rddreg [dreg:$0x13]  }
0x63: {  	[tilespmem:s13], [sflag:$0x1] =	stream.linear.gather [hbm4b:s14+s4], $0x80, $0x38;
	[tilespmem:$0x1CB00] =	vst v63  }
0x64: {  	s13 =	sadd.s32 $0xFFFFFA00, s8;
	s14 =	sadd.s32 s11, s17;
	s17 =	rddreg [dreg:$0x12]  }
0x65: {  	[tilespmem:s13], [sflag:$0x1] =	stream.linear.gather [hbm4b:s14+s4], $0x80, $0x38;
	[tilespmem:$0x1CB00] =	vst v63  }
0x66: {  	s13 =	sadd.s32 $0xFFFFFA80, s8;
	s14 =	sadd.s32 s11, s15;
	s15 =	rddreg [dreg:$0x11]  }
0x67: {  	[tilespmem:s13], [sflag:$0x1] =	stream.linear.gather [hbm4b:s14+s4], $0x80, $0x38;
	[tilespmem:$0x1CB00] =	vst v63  }
0x68: {  	s13 =	sadd.s32 $0xFFFFFB00, s8;
	s14 =	sadd.s32 s11, s17;
	s17 =	rddreg [dreg:$0x10]  }
0x69: {  	[tilespmem:s13], [sflag:$0x1] =	stream.linear.gather [hbm4b:s14+s4], $0x80, $0x38;
	[tilespmem:$0x1CB00] =	vst v63  }
0x6a: {  	s13 =	sadd.s32 $0xFFFFFB80, s8;
	s14 =	sadd.s32 s11, s15;
	s15 =	rddreg [dreg:$0xf]  }
0x6b: {  	[tilespmem:s13], [sflag:$0x1] =	stream.linear.gather [hbm4b:s14+s4], $0x80, $0x38;
	[tilespmem:$0x1CB00] =	vst v63  }
0x6c: {  	s13 =	sadd.s32 $0xFFFFFC00, s8;
	s14 =	sadd.s32 s11, s17;
	s17 =	rddreg [dreg:$0xe]  }
0x6d: {  	[tilespmem:s13], [sflag:$0x1] =	stream.linear.gather [hbm4b:s14+s4], $0x80, $0x38;
	[tilespmem:$0x1CB00] =	vst v63  }
0x6e: {  	s13 =	sadd.s32 $0xFFFFFC80, s8;
	s14 =	sadd.s32 s11, s15;
	s15 =	rddreg [dreg:$0xd]  }
0x6f: {  	[tilespmem:s13], [sflag:$0x1] =	stream.linear.gather [hbm4b:s14+s4], $0x80, $0x38;
	[tilespmem:$0x1CB00] =	vst v63  }
0x70: {  	s13 =	sadd.s32 $0xFFFFFD00, s8;
	s14 =	sadd.s32 s11, s17;
	s17 =	rddreg [dreg:$0xc]  }
0x71: {  	[tilespmem:s13], [sflag:$0x1] =	stream.linear.gather [hbm4b:s14+s4], $0x80, $0x38;
	[tilespmem:$0x1CB00] =	vst v63  }
0x72: {  	s13 =	sadd.s32 $0xFFFFFD80, s8;
	s14 =	sadd.s32 s11, s15;
	s15 =	rddreg [dreg:$0xb]  }
0x73: {  	[tilespmem:s13], [sflag:$0x1] =	stream.linear.gather [hbm4b:s14+s4], $0x80, $0x38;
	[tilespmem:$0x1CB00] =	vst v63  }
0x74: {  	s13 =	sadd.s32 $0xFFFFFE00, s8;
	s14 =	sadd.s32 s11, s17;
	s17 =	rddreg [dreg:$0xa]  }
0x75: {  	[tilespmem:s13], [sflag:$0x1] =	stream.linear.gather [hbm4b:s14+s4], $0x80, $0x38;
	[tilespmem:$0x1CB00] =	vst v63  }
0x76: {  	s17 =	sadd.s32 s11, s17;
	s13 =	sadd.s32 $0xFFFFFE80, s8;
	s14 =	sadd.s32 s11, s15  }
0x77: {  	[tilespmem:s13], [sflag:$0x1] =	stream.linear.gather [hbm4b:s14+s4], $0x80, $0x38;
	[tilespmem:$0x1CB00] =	vst v63  }
.Ltmp0:
0x78: {  	s15 =	rddreg [dreg:$0x9];
	s14 =	sadd.s32 $0xFFFFFF00, s8;
	(pc) =	sbr.rel @p0 .LBB2_2-.Ltmp0, $4  }
0x79: {  	[tilespmem:s14], [sflag:$0x1] =	stream.linear.gather [hbm4b:s17+s4], $0x80, $0x38;
	[tilespmem:$0x1CB00] =	vst v63  }
0x7a: {  	s10 =	sadd.s32 $0x800, s10;
	s13 =	rddreg [dreg:$0x7];
	s14 =	sadd.s32 $0xFFFFFF80, s8  }
0x7b: {  	s17 =	sadd.s32 s11, s15;
	s11 =	sadd.s32 s11, s12;
	s8 =	sadd.s32 $0x800, s8  }
0x7c: {  	[tilespmem:s14], [sflag:$0x1] =	stream.linear.gather [hbm4b:s17+s4], $0x80, $0x38;
	[tilespmem:$0x1CB00] =	vst v63  }
0x7d: {  	[tilespmem:s9], [sflag:$0x1] =	stream.linear.gather [hbm4b:s11+s4], $0x80, $0x38;
	[tilespmem:$0x1CB00] =	vst v63  }
0x7e: {  	s15 =	sadd.s32 $0xFFFFF880, s8;
	s10 =	sadd.s32 s7, s13  }
0x7f: {  	[tilespmem:s15], [sflag:$0x1] =	stream.linear.gather [hbm4b:s10+s4], $0x80, $0x38;
	[tilespmem:$0x1CB00] =	vst v63  }
0x80: {  	s17 =	rddreg [dreg:$0x15];
	s11 =	sadd.s32 $0xFFFFF900, s8;
	s12 =	sadd.s32 s7, s21  }
0x81: {  	[tilespmem:s11], [sflag:$0x1] =	stream.linear.gather [hbm4b:s12+s4], $0x80, $0x38;
	[tilespmem:$0x1CB00] =	vst v63  }
0x82: {  	s13 =	rddreg [dreg:$0x14];
	s14 =	sadd.s32 $0xFFFFF980, s8;
	s9 =	sadd.s32 s7, s17  }
0x83: {  	[tilespmem:s14], [sflag:$0x1] =	stream.linear.gather [hbm4b:s9+s4], $0x80, $0x38;
	[tilespmem:$0x1CB00] =	vst v63  }
0x84: {  	s17 =	sadd.s32 $0xFFFFFA00, s8;
	s15 =	rddreg [dreg:$0x13];
	s10 =	sadd.s32 s7, s13  }
0x85: {  	[tilespmem:s17], [sflag:$0x1] =	stream.linear.gather [hbm4b:s10+s4], $0x80, $0x38;
	[tilespmem:$0x1CB00] =	vst v63  }
0x86: {  	s13 =	sadd.s32 $0xFFFFFA80, s8;
	s12 =	rddreg [dreg:$0x12];
	s9 =	sadd.s32 s7, s15  }
0x87: {  	[tilespmem:s13], [sflag:$0x1] =	stream.linear.gather [hbm4b:s9+s4], $0x80, $0x38;
	[tilespmem:$0x1CB00] =	vst v63  }
0x88: {  	s14 =	rddreg [dreg:$0x11];
	s15 =	sadd.s32 $0xFFFFFB00, s8;
	s10 =	sadd.s32 s7, s12  }
0x89: {  	[tilespmem:s15], [sflag:$0x1] =	stream.linear.gather [hbm4b:s10+s4], $0x80, $0x38;
	[tilespmem:$0x1CB00] =	vst v63  }
0x8a: {  	s17 =	rddreg [dreg:$0x10];
	s12 =	sadd.s32 $0xFFFFFB80, s8;
	s9 =	sadd.s32 s7, s14  }
0x8b: {  	[tilespmem:s12], [sflag:$0x1] =	stream.linear.gather [hbm4b:s9+s4], $0x80, $0x38;
	[tilespmem:$0x1CB00] =	vst v63  }
0x8c: {  	s13 =	rddreg [dreg:$0xf];
	s14 =	sadd.s32 $0xFFFFFC00, s8;
	s10 =	sadd.s32 s7, s17  }
0x8d: {  	[tilespmem:s14], [sflag:$0x1] =	stream.linear.gather [hbm4b:s10+s4], $0x80, $0x38;
	[tilespmem:$0x1CB00] =	vst v63  }
0x8e: {  	s15 =	rddreg [dreg:$0xe];
	s17 =	sadd.s32 $0xFFFFFC80, s8;
	s9 =	sadd.s32 s7, s13  }
0x8f: {  	[tilespmem:s17], [sflag:$0x1] =	stream.linear.gather [hbm4b:s9+s4], $0x80, $0x38;
	[tilespmem:$0x1CB00] =	vst v63  }
0x90: {  	s12 =	rddreg [dreg:$0xd];
	s13 =	sadd.s32 $0xFFFFFD00, s8;
	s10 =	sadd.s32 s7, s15  }
0x91: {  	[tilespmem:s13], [sflag:$0x1] =	stream.linear.gather [hbm4b:s10+s4], $0x80, $0x38;
	[tilespmem:$0x1CB00] =	vst v63  }
0x92: {  	s14 =	rddreg [dreg:$0xc];
	s15 =	sadd.s32 $0xFFFFFD80, s8;
	s9 =	sadd.s32 s7, s12  }
0x93: {  	[tilespmem:s15], [sflag:$0x1] =	stream.linear.gather [hbm4b:s9+s4], $0x80, $0x38;
	[tilespmem:$0x1CB00] =	vst v63  }
0x94: {  	s17 =	rddreg [dreg:$0xb];
	s12 =	sadd.s32 $0xFFFFFE00, s8;
	s10 =	sadd.s32 s7, s14  }
0x95: {  	[tilespmem:s12], [sflag:$0x1] =	stream.linear.gather [hbm4b:s10+s4], $0x80, $0x38;
	[tilespmem:$0x1CB00] =	vst v63  }
0x96: {  	s13 =	rddreg [dreg:$0xa];
	s14 =	sadd.s32 $0xFFFFFE80, s8;
	s9 =	sadd.s32 s7, s17  }
0x97: {  	[tilespmem:s14], [sflag:$0x1] =	stream.linear.gather [hbm4b:s9+s4], $0x80, $0x38;
	[tilespmem:$0x1CB00] =	vst v63  }
0x98: {  	s15 =	rddreg [dreg:$0x9];
	s17 =	sadd.s32 $0xFFFFFF00, s8;
	s10 =	sadd.s32 s7, s13  }
0x99: {  	[tilespmem:s17], [sflag:$0x1] =	stream.linear.gather [hbm4b:s10+s4], $0x80, $0x38;
	[tilespmem:$0x1CB00] =	vst v63  }
0x9a: {  	s12 =	rddreg [dreg:$0x8];
	s13 =	sadd.s32 $0xFFFFFF80, s8;
	s9 =	sadd.s32 s7, s15  }
0x9b: {  	[tilespmem:s13], [sflag:$0x1] =	stream.linear.gather [hbm4b:s9+s4], $0x80, $0x38;
	[tilespmem:$0x1CB00] =	vst v63  }
0x9c: {  	s11 =	rddreg [dreg:$0x18];
	s14 =	sadd.s32 s7, s12  }
0x9d: {  	[tilespmem:s8], [sflag:$0x1] =	stream.linear.gather [hbm4b:s14+s4], $0x80, $0x38;
	[tilespmem:$0x1CB00] =	vst v63  }
0x9e: {  	s15 =	rddreg [dreg:$0x16];
	s17 =	simm.s32 $0x18000  }
0x9f: {  	[tilespmem:s17], [sflag:$0x1] =	stream.linear.gather [hbm4b:s15+s4], $0x80, $0x38;
	[tilespmem:$0x1CB00] =	vst v63  }
0xa0: {  	s10 =	simm.s32 $0x18080;
	s9 =	rddreg [dreg:$0x17]  }
0xa1: {  	[tilespmem:s10], [sflag:$0x1] =	stream.linear.gather [hbm4b:s9+s4], $0x80, $0x38;
	[tilespmem:$0x1CB00] =	vst v63  }
0xa2: {  	s12 =	simm.s32 $0x18100;
	s13 =	rddreg [dreg:$0x19]  }
0xa3: {  	[tilespmem:s12], [sflag:$0x1] =	stream.linear.gather [hbm4b:s11+s4], $0x80, $0x38;
	[tilespmem:$0x1CB00] =	vst v63  }
0xa4: {  	s14 =	simm.s32 $0x18180;
	s8 =	rddreg [dreg:$0x1f]  }
0xa5: {  	[tilespmem:s14], [sflag:$0x1] =	stream.linear.gather [hbm4b:s13+s4], $0x80, $0x38;
	[tilespmem:$0x1CB00] =	vst v63  }
0xa6: {  	s15 =	rddreg [dreg:$0x1a];
	s17 =	simm.s32 $0x18200  }
0xa7: {  	[tilespmem:s17], [sflag:$0x1] =	stream.linear.gather [hbm4b:s15+s4], $0x80, $0x38;
	[tilespmem:$0x1CB00] =	vst v63  }
0xa8: {  	s9 =	rddreg [dreg:$0x1b];
	s10 =	simm.s32 $0x18280  }
0xa9: {  	[tilespmem:s10], [sflag:$0x1] =	stream.linear.gather [hbm4b:s9+s4], $0x80, $0x38;
	[tilespmem:$0x1CB00] =	vst v63  }
0xaa: {  	s11 =	rddreg [dreg:$0x1c];
	s12 =	simm.s32 $0x18300  }
0xab: {  	[tilespmem:s12], [sflag:$0x1] =	stream.linear.gather [hbm4b:s11+s4], $0x80, $0x38;
	[tilespmem:$0x1CB00] =	vst v63  }
0xac: {  	s13 =	rddreg [dreg:$0x1d];
	s14 =	simm.s32 $0x18380  }
0xad: {  	[tilespmem:s14], [sflag:$0x1] =	stream.linear.gather [hbm4b:s13+s4], $0x80, $0x38;
	[tilespmem:$0x1CB00] =	vst v63  }
0xae: {  	s15 =	rddreg [dreg:$0x1e];
	s17 =	simm.s32 $0x18400  }
0xaf: {  	[tilespmem:s17], [sflag:$0x1] =	stream.linear.gather [hbm4b:s15+s4], $0x80, $0x38;
	[tilespmem:$0x1CB00] =	vst v63  }
0xb0: {  	s9 =	simm.s32 $0x18480;
	s10 =	sld [smem:$0x7FC]  }
0xb1: {  	[tilespmem:s9], [sflag:$0x1] =	stream.linear.gather [hbm4b:s8+s4], $0x80, $0x38;
	[tilespmem:$0x1CB00] =	vst v63  }
0xb2: {  	s11 =	simm.s32 $0x18500  }
0xb3: {  	[tilespmem:s11], [sflag:$0x1] =	stream.linear.gather [hbm4b:s10+s4], $0x80, $0x38;
	[tilespmem:$0x1CB00] =	vst v63  }
0xb4: {  	s12 =	simm.s32 $0x18580  }
0xb5: {  	[tilespmem:s12], [sflag:$0x1] =	stream.linear.gather [hbm4b:s18+s4], $0x80, $0x38;
	[tilespmem:$0x1CB00] =	vst v63  }
0xb6: {  	s13 =	simm.s32 $0x18600  }
0xb7: {  	[tilespmem:s13], [sflag:$0x1] =	stream.linear.gather [hbm4b:s19+s4], $0x80, $0x38;
	[tilespmem:$0x1CB00] =	vst v63  }
0xb8: {  	s14 =	simm.s32 $0x18680  }
0xb9: {  	[tilespmem:s14], [sflag:$0x1] =	stream.linear.gather [hbm4b:s20+s4], $0x80, $0x38;
	[tilespmem:$0x1CB00] =	vst v63  }
0xba: {  	_ = 	snop  }
0xbb: {  	[tilespmem:s0], [sflag:$0x1] =	stream.linear.gather [hbm4b:s16+s4], $0x80, $0x38;
	[tilespmem:$0x1CB00] =	vst v63  }
0xbc: {  	s15 =	simm.s32 $0x18780  }
0xbd: {  	[tilespmem:s15], [sflag:$0x1] =	stream.linear.gather [hbm4b:s22+s4], $0x80, $0x38;
	[tilespmem:$0x1CB00] =	vst v63  }
0xbe: {  	s17 =	simm.s32 $0x18800  }
0xbf: {  	[tilespmem:s17], [sflag:$0x1] =	stream.linear.gather [hbm4b:s26+s4], $0x80, $0x38;
	[tilespmem:$0x1CB00] =	vst v63  }
0xc0: {  	s8 =	simm.s32 $0x18880  }
0xc1: {  	[tilespmem:s8], [sflag:$0x1] =	stream.linear.gather [hbm4b:s28+s4], $0x80, $0x38;
	[tilespmem:$0x1CB00] =	vst v63  }
0xc2: {  	s9 =	simm.s32 $0x18900  }
0xc3: {  	[tilespmem:s9], [sflag:$0x1] =	stream.linear.gather [hbm4b:s29+s4], $0x80, $0x38;
	[tilespmem:$0x1CB00] =	vst v63  }
0xc4: {  	s10 =	simm.s32 $0x18980  }
0xc5: {  	[tilespmem:s10], [sflag:$0x1] =	stream.linear.gather [hbm4b:s30+s4], $0x80, $0x38;
	[tilespmem:$0x1CB00] =	vst v63  }
0xc6: {  	s11 =	simm.s32 $0x18A00  }
0xc7: {  	[tilespmem:s11], [sflag:$0x1] =	stream.linear.gather [hbm4b:s31+s4], $0x80, $0x38;
	[tilespmem:$0x1CB00] =	vst v63  }
0xc8: {  	s12 =	simm.s32 $0x18A80  }
0xc9: {  	[tilespmem:s12], [sflag:$0x1] =	stream.linear.gather [hbm4b:s23+s4], $0x80, $0x38;
	[tilespmem:$0x1CB00] =	vst v63  }
0xca: {  	s13 =	rddreg [dreg:$0x1];
	s14 =	simm.s32 $0x18B00  }
0xcb: {  	[tilespmem:s14], [sflag:$0x2] =	stream.linear.gather [hbm4b:s13+s4], $0x1000, $0x38;
	[tilespmem:$0x1CB00] =	vst v63  }
0xcc: {  	_ =	swait.ge [sflag:s2], $0x1000  }
0xcd: {  	[sflag:s2] =	ssyncset.done $0x0  }
0xce: {  	[sflag:s2] =	ssyncadd.s32 $0xFFFFF000  }
0xcf: {  	s17 =	simm.s32 $0x19B00;
	s15 =	rddreg [dreg:$0x3]  }
0xd0: {  	[tilespmem:s17], [sflag:$0x2] =	stream.linear.gather [hbm4b:s15+s4], $0x1000, $0x38;
	[tilespmem:$0x1CB00] =	vst v63  }
0xd1: {  	_ =	swait.ge [sflag:s2], $0x1000  }
0xd2: {  	[sflag:s2] =	ssyncset.done $0x0  }
0xd3: {  	[sflag:s2] =	ssyncadd.s32 $0xFFFFF000  }
0xd4: {  	_ =	swait.ge [sflag:s1], $0x80  }
0xd5: {  	[sflag:s1] =	ssyncset.done $0x0  }
0xd6: {  	[sflag:s1] =	ssyncadd.s32 $0xFFFFFF80  }
0xd7: {  	_ =	swait.ge [sflag:s1], $0x80  }
0xd8: {  	[sflag:s1] =	ssyncset.done $0x0  }
0xd9: {  	[sflag:s1] =	ssyncadd.s32 $0xFFFFFF80  }
0xda: {  	_ =	swait.ge [sflag:s1], $0x80  }
0xdb: {  	[sflag:s1] =	ssyncset.done $0x0  }
0xdc: {  	[sflag:s1] =	ssyncadd.s32 $0xFFFFFF80  }
0xdd: {  	_ =	swait.ge [sflag:s1], $0x80  }
0xde: {  	[sflag:s1] =	ssyncset.done $0x0  }
0xdf: {  	[sflag:s1] =	ssyncadd.s32 $0xFFFFFF80  }
0xe0: {  	_ =	swait.ge [sflag:s1], $0x80  }
0xe1: {  	[sflag:s1] =	ssyncset.done $0x0  }
0xe2: {  	[sflag:s1] =	ssyncadd.s32 $0xFFFFFF80  }
0xe3: {  	_ =	swait.ge [sflag:s1], $0x80  }
0xe4: {  	[sflag:s1] =	ssyncset.done $0x0  }
0xe5: {  	[sflag:s1] =	ssyncadd.s32 $0xFFFFFF80  }
0xe6: {  	_ =	swait.ge [sflag:s1], $0x80  }
0xe7: {  	[sflag:s1] =	ssyncset.done $0x0  }
0xe8: {  	[sflag:s1] =	ssyncadd.s32 $0xFFFFFF80  }
0xe9: {  	_ =	swait.ge [sflag:s1], $0x80  }
0xea: {  	[sflag:s1] =	ssyncset.done $0x0  }
0xeb: {  	[sflag:s1] =	ssyncadd.s32 $0xFFFFFF80  }
0xec: {  	_ =	swait.ge [sflag:s1], $0x80  }
0xed: {  	[sflag:s1] =	ssyncset.done $0x0  }
0xee: {  	[sflag:s1] =	ssyncadd.s32 $0xFFFFFF80  }
0xef: {  	_ =	swait.ge [sflag:s1], $0x80  }
0xf0: {  	[sflag:s1] =	ssyncset.done $0x0  }
0xf1: {  	[sflag:s1] =	ssyncadd.s32 $0xFFFFFF80  }
0xf2: {  	_ =	swait.ge [sflag:s1], $0x80  }
0xf3: {  	[sflag:s1] =	ssyncset.done $0x0  }
0xf4: {  	[sflag:s1] =	ssyncadd.s32 $0xFFFFFF80  }
0xf5: {  	_ =	swait.ge [sflag:s1], $0x80  }
0xf6: {  	[sflag:s1] =	ssyncset.done $0x0  }
0xf7: {  	[sflag:s1] =	ssyncadd.s32 $0xFFFFFF80  }
0xf8: {  	_ =	swait.ge [sflag:s1], $0x80  }
0xf9: {  	[sflag:s1] =	ssyncset.done $0x0  }
0xfa: {  	[sflag:s1] =	ssyncadd.s32 $0xFFFFFF80  }
0xfb: {  	_ =	swait.ge [sflag:s1], $0x80  }
0xfc: {  	[sflag:s1] =	ssyncset.done $0x0  }
0xfd: {  	[sflag:s1] =	ssyncadd.s32 $0xFFFFFF80  }
0xfe: {  	_ =	swait.ge [sflag:s1], $0x80  }
0xff: {  	[sflag:s1] =	ssyncset.done $0x0  }
0x100: {  	[sflag:s1] =	ssyncadd.s32 $0xFFFFFF80  }
0x101: {  	_ =	swait.ge [sflag:s1], $0x80  }
0x102: {  	s7 =	simm.s32 $0x2F;
	[sflag:s1] =	ssyncset.done $0x0  }
.LBB2_4:
0x103: {  	p0 =	sne.s32 s7, $0x1;
	s7 =	sadd.s32 $0xFFFFFFFF, s7;
	[sflag:s1] =	ssyncadd.s32 $0xFFFFFF80  }
0x104: {  	_ =	swait.ge [sflag:s1], $0x80  }
0x105: {  	[sflag:s1] =	ssyncset.done $0x0  }
0x106: {  	[sflag:s1] =	ssyncadd.s32 $0xFFFFFF80  }
0x107: {  	_ =	swait.ge [sflag:s1], $0x80  }
0x108: {  	[sflag:s1] =	ssyncset.done $0x0  }
0x109: {  	[sflag:s1] =	ssyncadd.s32 $0xFFFFFF80  }
0x10a: {  	_ =	swait.ge [sflag:s1], $0x80  }
0x10b: {  	[sflag:s1] =	ssyncset.done $0x0  }
0x10c: {  	[sflag:s1] =	ssyncadd.s32 $0xFFFFFF80  }
0x10d: {  	_ =	swait.ge [sflag:s1], $0x80  }
0x10e: {  	[sflag:s1] =	ssyncset.done $0x0  }
0x10f: {  	[sflag:s1] =	ssyncadd.s32 $0xFFFFFF80  }
0x110: {  	_ =	swait.ge [sflag:s1], $0x80  }
0x111: {  	[sflag:s1] =	ssyncset.done $0x0  }
0x112: {  	[sflag:s1] =	ssyncadd.s32 $0xFFFFFF80  }
0x113: {  	_ =	swait.ge [sflag:s1], $0x80  }
0x114: {  	[sflag:s1] =	ssyncset.done $0x0  }
0x115: {  	[sflag:s1] =	ssyncadd.s32 $0xFFFFFF80  }
0x116: {  	_ =	swait.ge [sflag:s1], $0x80  }
0x117: {  	[sflag:s1] =	ssyncset.done $0x0  }
0x118: {  	[sflag:s1] =	ssyncadd.s32 $0xFFFFFF80  }
0x119: {  	_ =	swait.ge [sflag:s1], $0x80  }
0x11a: {  	[sflag:s1] =	ssyncset.done $0x0  }
0x11b: {  	[sflag:s1] =	ssyncadd.s32 $0xFFFFFF80  }
0x11c: {  	_ =	swait.ge [sflag:s1], $0x80  }
0x11d: {  	[sflag:s1] =	ssyncset.done $0x0  }
0x11e: {  	[sflag:s1] =	ssyncadd.s32 $0xFFFFFF80  }
0x11f: {  	_ =	swait.ge [sflag:s1], $0x80  }
0x120: {  	[sflag:s1] =	ssyncset.done $0x0  }
0x121: {  	[sflag:s1] =	ssyncadd.s32 $0xFFFFFF80  }
0x122: {  	_ =	swait.ge [sflag:s1], $0x80  }
0x123: {  	[sflag:s1] =	ssyncset.done $0x0  }
0x124: {  	[sflag:s1] =	ssyncadd.s32 $0xFFFFFF80  }
0x125: {  	_ =	swait.ge [sflag:s1], $0x80  }
0x126: {  	[sflag:s1] =	ssyncset.done $0x0  }
0x127: {  	[sflag:s1] =	ssyncadd.s32 $0xFFFFFF80  }
0x128: {  	_ =	swait.ge [sflag:s1], $0x80  }
0x129: {  	[sflag:s1] =	ssyncset.done $0x0  }
0x12a: {  	[sflag:s1] =	ssyncadd.s32 $0xFFFFFF80  }
0x12b: {  	_ =	swait.ge [sflag:s1], $0x80  }
0x12c: {  	[sflag:s1] =	ssyncset.done $0x0  }
0x12d: {  	[sflag:s1] =	ssyncadd.s32 $0xFFFFFF80  }
.Ltmp1:
0x12e: {  	_ =	swait.ge [sflag:s1], $0x80;
	(pc) =	sbr.rel @p0 .LBB2_4-.Ltmp1, $4  }
0x12f: {  	[sflag:s1] =	ssyncset.done $0x0  }
0x130: {  	[sflag:s1] =	ssyncadd.s32 $0xFFFFFF80  }
0x131: {  	_ =	swait.ge [sflag:s1], $0x80  }
0x132: {  	[sflag:s1] =	ssyncset.done $0x0  }
0x133: {  	[sflag:s1] =	ssyncadd.s32 $0xFFFFFF80  }
0x134: {  	_ =	swait.ge [sflag:s1], $0x80  }
0x135: {  	[sflag:s1] =	ssyncset.done $0x0  }
0x136: {  	[sflag:s1] =	ssyncadd.s32 $0xFFFFFF80  }
0x137: {  	_ =	swait.ge [sflag:s1], $0x80  }
0x138: {  	[sflag:s1] =	ssyncset.done $0x0  }
0x139: {  	[sflag:s1] =	ssyncadd.s32 $0xFFFFFF80  }
0x13a: {  	_ =	swait.ge [sflag:s1], $0x80  }
0x13b: {  	[sflag:s1] =	ssyncset.done $0x0  }
0x13c: {  	[sflag:s1] =	ssyncadd.s32 $0xFFFFFF80  }
0x13d: {  	_ =	swait.ge [sflag:s1], $0x80  }
0x13e: {  	[sflag:s1] =	ssyncset.done $0x0  }
0x13f: {  	[sflag:s1] =	ssyncadd.s32 $0xFFFFFF80  }
0x140: {  	_ =	swait.ge [sflag:s1], $0x80  }
0x141: {  	[sflag:s1] =	ssyncset.done $0x0  }
0x142: {  	[sflag:s1] =	ssyncadd.s32 $0xFFFFFF80  }
0x143: {  	_ =	swait.ge [sflag:s1], $0x80  }
0x144: {  	[sflag:s1] =	ssyncset.done $0x0  }
0x145: {  	[sflag:s1] =	ssyncadd.s32 $0xFFFFFF80  }
0x146: {  	_ =	swait.ge [sflag:s1], $0x80  }
0x147: {  	[sflag:s1] =	ssyncset.done $0x0  }
0x148: {  	[sflag:s1] =	ssyncadd.s32 $0xFFFFFF80  }
0x149: {  	_ =	swait.ge [sflag:s1], $0x80  }
0x14a: {  	[sflag:s1] =	ssyncset.done $0x0  }
0x14b: {  	[sflag:s1] =	ssyncadd.s32 $0xFFFFFF80  }
0x14c: {  	_ =	swait.ge [sflag:s1], $0x80  }
0x14d: {  	[sflag:s1] =	ssyncset.done $0x0  }
0x14e: {  	[sflag:s1] =	ssyncadd.s32 $0xFFFFFF80  }
0x14f: {  	_ =	swait.ge [sflag:s1], $0x80  }
0x150: {  	[sflag:s1] =	ssyncset.done $0x0  }
0x151: {  	[sflag:s1] =	ssyncadd.s32 $0xFFFFFF80  }
0x152: {  	_ =	swait.ge [sflag:s1], $0x80  }
0x153: {  	[sflag:s1] =	ssyncset.done $0x0  }
0x154: {  	[sflag:s1] =	ssyncadd.s32 $0xFFFFFF80  }
0x155: {  	_ =	swait.ge [sflag:s1], $0x80  }
0x156: {  	[sflag:s1] =	ssyncset.done $0x0  }
0x157: {  	[sflag:s1] =	ssyncadd.s32 $0xFFFFFF80  }
0x158: {  	_ =	swait.ge [sflag:s1], $0x80  }
0x159: {  	[sflag:s1] =	ssyncset.done $0x0  }
0x15a: {  	[sflag:s1] =	ssyncadd.s32 $0xFFFFFF80  }
0x15b: {  	_ =	swait.ge [sflag:s1], $0x80  }
0x15c: {  	[sflag:s1] =	ssyncset.done $0x0  }
0x15d: {  	[sflag:s1] =	ssyncadd.s32 $0xFFFFFF80  }
0x15e: {  	_ =	swait.ge [sflag:s1], $0x80  }
0x15f: {  	[sflag:s1] =	ssyncset.done $0x0  }
0x160: {  	[sflag:s1] =	ssyncadd.s32 $0xFFFFFF80  }
0x161: {  	_ =	swait.ge [sflag:s1], $0x80  }
0x162: {  	[sflag:s1] =	ssyncset.done $0x0  }
0x163: {  	[sflag:s1] =	ssyncadd.s32 $0xFFFFFF80  }
0x164: {  	_ =	swait.ge [sflag:s1], $0x80  }
0x165: {  	[sflag:s1] =	ssyncset.done $0x0  }
0x166: {  	[sflag:s1] =	ssyncadd.s32 $0xFFFFFF80  }
0x167: {  	_ =	swait.ge [sflag:s1], $0x80  }
0x168: {  	[sflag:s1] =	ssyncset.done $0x0  }
0x169: {  	[sflag:s1] =	ssyncadd.s32 $0xFFFFFF80  }
0x16a: {  	_ =	swait.ge [sflag:s1], $0x80  }
0x16b: {  	[sflag:s1] =	ssyncset.done $0x0  }
0x16c: {  	[sflag:s1] =	ssyncadd.s32 $0xFFFFFF80  }
0x16d: {  	_ =	swait.ge [sflag:s1], $0x80  }
0x16e: {  	[sflag:s1] =	ssyncset.done $0x0  }
0x16f: {  	[sflag:s1] =	ssyncadd.s32 $0xFFFFFF80  }
0x170: {  	_ =	swait.ge [sflag:s1], $0x80  }
0x171: {  	[sflag:s1] =	ssyncset.done $0x0  }
0x172: {  	[sflag:s1] =	ssyncadd.s32 $0xFFFFFF80  }
0x173: {  	_ =	swait.ge [sflag:s1], $0x80  }
0x174: {  	[sflag:s1] =	ssyncset.done $0x0  }
0x175: {  	s7 =	simm.s32 $0x0;
	[sflag:s1] =	ssyncadd.s32 $0xFFFFFF80  }
0x176: {  	v0 =	vld [tilespmem:s7+$0x18B00];
	_ =	sdelay $0x5  }
0x177: {  	v1 =	vld [tilespmem:s7+$0x19B00];
	_ =	sdelay $0x1  }
0x178: {  	v0 =	vld.idx.msk [tilespmem:v0+s4+$0x0], $0xffff;
	_ =	sdelay $0x4  }
0x179: {  	[tilespmem:s7+$0x1AB00] =	vst v0;
	v0 =	vld [tilespmem:s7+$0x18B10]  }
0x17a: {  	v1 =	vld.idx.msk [tilespmem:v1+s0+$0x0], $0xffff;
	_ =	sdelay $0x4  }
0x17b: {  	[tilespmem:s7+$0x1BB00] =	vst v1;
	v1 =	vld [tilespmem:s7+$0x19B10];
	_ =	sdelay $0x1  }
0x17c: {  	v0 =	vld.idx.msk [tilespmem:v0+s4+$0x0], $0xffff;
	_ =	sdelay $0x4  }
0x17d: {  	[tilespmem:s7+$0x1AB10] =	vst v0;
	v0 =	vld [tilespmem:s7+$0x18B20]  }
0x17e: {  	v1 =	vld.idx.msk [tilespmem:v1+s0+$0x0], $0xffff;
	_ =	sdelay $0x4  }
0x17f: {  	[tilespmem:s7+$0x1BB10] =	vst v1;
	v1 =	vld [tilespmem:s7+$0x19B20];
	_ =	sdelay $0x1  }
0x180: {  	v0 =	vld.idx.msk [tilespmem:v0+s4+$0x0], $0xffff;
	_ =	sdelay $0x4  }
0x181: {  	v2 =	vld [tilespmem:s7+$0x18B30];
	[tilespmem:s7+$0x1AB20] =	vst v0  }
0x182: {  	v0 =	vld.idx.msk [tilespmem:v1+s0+$0x0], $0xffff;
	_ =	sdelay $0x4  }
0x183: {  	[tilespmem:s7+$0x1BB20] =	vst v0;
	v0 =	vld [tilespmem:s7+$0x19B30];
	_ =	sdelay $0x1  }
0x184: {  	v1 =	vld.idx.msk [tilespmem:v2+s4+$0x0], $0xffff;
	_ =	sdelay $0x3  }
0x185: {  	s9 =	simm.s32 $0x40;
	s8 =	simm.s32 $0x200  }
.LBB2_6:
0x186: {  	p0 =	sne.s32 s8, $0x3F00;
	v2 =	vld [tilespmem:s9+$0x18B00];
	[tilespmem:s7+$0x1AB30] =	vst v1  }
0x187: {  	v0 =	vld.idx.msk [tilespmem:v0+s0+$0x0], $0xffff;
	_ =	sdelay $0x5  }
0x188: {  	v1 =	vld [tilespmem:s9+$0x19B00];
	[tilespmem:s7+$0x1BB30] =	vst v0;
	s7 =	smov.u32 s9  }
0x189: {  	v0 =	vld.idx.msk [tilespmem:v2+s4+$0x0], $0xffff;
	_ =	sdelay $0x5  }
0x18a: {  	[tilespmem:s7+$0x1AB00] =	vst v0;
	v0 =	vld [tilespmem:s7+$0x18B10]  }
0x18b: {  	v1 =	vld.idx.msk [tilespmem:v1+s0+$0x0], $0xffff;
	_ =	sdelay $0x5  }
0x18c: {  	[tilespmem:s7+$0x1BB00] =	vst v1;
	v1 =	vld [tilespmem:s7+$0x19B10]  }
0x18d: {  	v0 =	vld.idx.msk [tilespmem:v0+s4+$0x0], $0xffff;
	_ =	sdelay $0x5  }
0x18e: {  	[tilespmem:s7+$0x1AB10] =	vst v0;
	v0 =	vld [tilespmem:s7+$0x18B20]  }
0x18f: {  	v1 =	vld.idx.msk [tilespmem:v1+s0+$0x0], $0xffff;
	_ =	sdelay $0x5  }
0x190: {  	[tilespmem:s7+$0x1BB10] =	vst v1;
	v1 =	vld [tilespmem:s7+$0x19B20]  }
0x191: {  	v0 =	vld.idx.msk [tilespmem:v0+s4+$0x0], $0xffff;
	_ =	sdelay $0x5  }
0x192: {  	[tilespmem:s7+$0x1AB20] =	vst v0;
	v2 =	vld [tilespmem:s7+$0x18B30]  }
0x193: {  	v0 =	vld.idx.msk [tilespmem:v1+s0+$0x0], $0xffff;
	_ =	sdelay $0x5  }
0x194: {  	[tilespmem:s7+$0x1BB20] =	vst v0;
	v0 =	vld [tilespmem:s7+$0x19B30]  }
0x195: {  	v1 =	vld.idx.msk [tilespmem:v2+s4+$0x0], $0xffff  }
.Ltmp2:
0x196: {  	(pc) =	sbr.rel @p0 .LBB2_6-.Ltmp2, $2  }
0x197: {  	_ =	sdelay $0x2  }
0x198: {  	s9 =	sshra.s32 s8, $0x2;
	s8 =	sadd.s32 $0x100, s8  }
0x199: {  	_ =	sdelay $0x1  }
0x19a: {  	v2 =	vld [tilespmem:s9+$0x18B00]  }
0x19b: {  	[tilespmem:s7+$0x1AB30] =	vst v1  }
0x19c: {  	v0 =	vld.idx.msk [tilespmem:v0+s0+$0x0], $0xffff;
	_ =	sdelay $0x3  }
0x19d: {  	v1 =	vld [tilespmem:s9+$0x19B00]  }
0x19e: {  	[tilespmem:s7+$0x1BB30] =	vst v0  }
0x19f: {  	v0 =	vld.idx.msk [tilespmem:v2+s4+$0x0], $0xffff;
	_ =	sdelay $0x3  }
0x1a0: {  	v58 =	vld [tilespmem:s9+$0x18B10]  }
0x1a1: {  	[tilespmem:s9+$0x1AB00] =	vst v0  }
0x1a2: {  	v1 =	vld.idx.msk [tilespmem:v1+s0+$0x0], $0xffff;
	_ =	sdelay $0x3  }
0x1a3: {  	v59 =	vld [tilespmem:s9+$0x19B10]  }
0x1a4: {  	[tilespmem:s9+$0x1BB00] =	vst v1  }
0x1a5: {  	v0 =	vld.idx.msk [tilespmem:v58+s4+$0x0], $0xffff;
	_ =	sdelay $0x3  }
0x1a6: {  	v60 =	vld [tilespmem:s9+$0x18B20]  }
0x1a7: {  	[tilespmem:s9+$0x1AB10] =	vst v0  }
0x1a8: {  	v1 =	vld.idx.msk [tilespmem:v59+s0+$0x0], $0xffff;
	_ =	sdelay $0x3  }
0x1a9: {  	v61 =	vld [tilespmem:s9+$0x19B20]  }
0x1aa: {  	[tilespmem:s9+$0x1BB10] =	vst v1  }
0x1ab: {  	v0 =	vld.idx.msk [tilespmem:v60+s4+$0x0], $0xffff;
	_ =	sdelay $0x3  }
0x1ac: {  	v62 =	vld [tilespmem:s9+$0x18B30]  }
0x1ad: {  	[tilespmem:s9+$0x1AB20] =	vst v0  }
0x1ae: {  	v1 =	vld.idx.msk [tilespmem:v61+s0+$0x0], $0xffff;
	_ =	sdelay $0x3  }
0x1af: {  	v63 =	vld [tilespmem:s9+$0x19B30]  }
0x1b0: {  	[tilespmem:s9+$0x1BB20] =	vst v1  }
0x1b1: {  	v0 =	vld.idx.msk [tilespmem:v62+s4+$0x0], $0xffff;
	_ =	sdelay $0x4  }
0x1b2: {  	[tilespmem:s9+$0x1AB30] =	vst v0  }
0x1b3: {  	v0 =	vld.idx.msk [tilespmem:v63+s0+$0x0], $0xffff;
	_ =	sdelay $0x2  }
0x1b4: {  	s15 =	sld [smem:$0x7FD];
	_ =	sdelay $0x1  }
0x1b5: {  	s8 =	simm.s32 $0x1AB00;
	[tilespmem:s9+$0x1BB30] =	vst v0  }
0x1b6: {  	[hbm4b:s15+s3] =	stream.strided.scatter [tilespmem:s8], [sflag:$0x2], $0x1000, s5, s3, $0x38;
	[tilespmem:$0x1CB00] =	vst v63  }
0x1b7: {  	s6 =	sadd.s32 $0x1, s6;
	_ =	swait.ge [sflag:s2], $0x1000  }
0x1b8: {  	p0 =	sne.s32 s6, s25;
	[sflag:s2] =	ssyncset.done $0x0  }
.Ltmp3:
0x1b9: {  	s17 =	simm.s32 $0x1BB00;
	[sflag:s2] =	ssyncadd.s32 $0xFFFFF000;
	(pc) =	sbr.rel @p0 .LBB2_1-.Ltmp3, $4  }
0x1ba: {  	[hbm4b:s24+s3] =	stream.strided.scatter [tilespmem:s17], [sflag:$0x2], $0x1000, s5, s3, $0x38;
	[tilespmem:$0x1CB00] =	vst v63  }
0x1bb: {  	_ =	swait.ge [sflag:s2], $0x1000  }
0x1bc: {  	[sflag:s2] =	ssyncset.done $0x0  }
0x1bd: {  	[sflag:s2] =	ssyncadd.s32 $0xFFFFF000  }
0x1be: {  	_ =	sfence.sel $0x180000  }
0x1bf: {  	[bflag:$0x0] =	sbarrier.arrive $0xFFFF  }
0x1c0: {  	_ =	strace $0x90000047  }
0x1c1: {  	s0 =	stileid.u32;
	[bflag:$0x2] =	sbarrier.arrive $0xFFFF  }
0x1c2: {  	p0 =	sne.s32 s0, $0x0;
	s0 =	rddreg [dreg:$0x6]  }
0x1c3: {  	s0 =	sadd.s32 @!p0 $0x100000, s0  }
0x1c4: {  	[sflag:s0] =	ssyncadd.tile.s32 @!p0 $0x1;
	_ =	shalt  }
.Lfunc_end2:
_tile_overlayer_lowered:
.L_overlay_start_2:
0x1c5: {  	(tag) =	ssettag $0x2  }
0x1c6: {  	s0 =	rddreg [dreg:$0x0];
	s2 =	stileid.u32  }
0x1c7: {  	s1 =	rddreg [dreg:$0x1];
	p0 =	sne.s32 s2, $0x0  }
0x1c8: {  	s3 =	rddreg [dreg:$0x2];
	[bflag:$0x3] =	sbarrier.arrive $0xFFFF;
	s2 =	simm.s32 @!p0 $0x1C02  }
0x1c9: {  	[timem:s3], [sflag:s2] =	dma.local @!p0 [hbm:s0], s1  }
0x1ca: {  	s0 =	simm.s32 @!p0 $0x2  }
0x1cb: {  	_ =	swait.ge @!p0 [sflag:s0], s1  }
0x1cc: {  	s1 =	ssub.s32 @!p0 $0x0, s1;
	[sflag:s0] =	ssyncset.done @!p0 $0x0  }
0x1cd: {  	[sflag:s0] =	ssyncadd.s32 @!p0 s1  }
0x1ce: {  	[bflag:$0x3] =	sbarrier.arrive $0xFFFF  }
0x1cf: {  	_ =	shalt  }

</sc_bundles>
